<compile_context>
chip_gen: v7x
topology: tpu7x:2x2x1
jax: 0.10.2.dev20260603
libtpu: 0.0.44.dev20260713+nightly
codegen_flags: <defaults>
</compile_context>

<pallas_src>
import jax
import jax.numpy as jnp
from jax import lax
from jax.experimental import pallas as pl
from jax.experimental.pallas import tpu as pltpu
from jax.experimental.pallas import tpu_sc as plsc

_B = 10240
_A = 256
_NC = 2
_NS = 16
_NW = _NC * _NS
_RPW = _B // _NW
_GR = 80
_NG = _RPW // _GR
_RB = 1024



def _tc_body(x_ref, se_ref, p_ref, rel_ref, ent_ref):
    e = x_ref[:, 0]
    se = se_ref[...]
    p = p_ref[0, 0]
    rel_ref[...] = x_ref[:, 1]
    ent_ref[...] = jnp.where(e == se, p, e)


def _run_tc(xt, se_lo, p32):
    grid = (_B // _RB,)
    return pl.pallas_call(
        _tc_body,
        grid=grid,
        in_specs=[
            pl.BlockSpec((_RB, 2, _A), lambda i: (i, i * 0, i * 0)),
            pl.BlockSpec((_RB, 1), lambda i: (i, i * 0)),
            pl.BlockSpec((1, 1), lambda i: (i * 0, i * 0)),
        ],
        out_specs=[
            pl.BlockSpec((_RB, _A), lambda i: (i, i * 0)),
            pl.BlockSpec((_RB, _A), lambda i: (i, i * 0)),
        ],
        out_shape=[
            jax.ShapeDtypeStruct((_B, _A), jnp.int32),
            jax.ShapeDtypeStruct((_B, _A), jnp.int32),
        ],
    )(xt, se_lo, p32)



def _sc_body(ne_hbm, se_hbm, act_hbm, p_hbm, ce_hbm,
             rows, actbuf, sebuf, idxbuf, cebuf, pbuf, sem):
    iota = lax.iota(jnp.int32, 16)
    wid = lax.axis_index("c") * jnp.int32(_NS) + lax.axis_index("s")
    r0 = wid * jnp.int32(_RPW)

    pltpu.sync_copy(act_hbm.at[pl.ds(r0, _RPW)], actbuf)
    pltpu.sync_copy(se_hbm.at[pl.ds(r0, _RPW)], sebuf)
    pltpu.sync_copy(p_hbm, pbuf)
    pv = pbuf[...]

    for g in range(_NG):
        base = r0 + g * _GR
        for j in range(_GR // 16):
            idxbuf[pl.ds(j * 16, 16)] = base + j * 16 + iota
        pltpu.async_copy(ne_hbm.at[idxbuf], rows, sem).wait()
        for j in range(_GR // 16):
            av = actbuf[pl.ds(g * _GR + j * 16, 16)]
            gv = plsc.load_gather(rows, [j * 16 + iota, av])
            sev = sebuf[pl.ds(g * _GR + j * 16, 16)]
            ce = jnp.where((gv == pv) | (gv == sev), pv, gv)
            cebuf[pl.ds(g * _GR + j * 16, 16)] = ce
    pltpu.sync_copy(cebuf, ce_hbm.at[pl.ds(r0, _RPW)])


def _run_sc(ne_lo, se_lo1, act32, parr):
    mesh = plsc.VectorSubcoreMesh(core_axis_name="c", subcore_axis_name="s",
                                  num_cores=_NC, num_subcores=_NS)
    f = pl.kernel(
        _sc_body,
        out_type=jax.ShapeDtypeStruct((_B,), jnp.int32),
        mesh=mesh,
        compiler_params=pltpu.CompilerParams(needs_layout_passes=False),
        scratch_types=[
            pltpu.VMEM((_GR, _A), jnp.int32),
            pltpu.VMEM((_RPW,), jnp.int32),
            pltpu.VMEM((_RPW,), jnp.int32),
            pltpu.VMEM((_GR,), jnp.int32),
            pltpu.VMEM((_RPW,), jnp.int32),
            pltpu.VMEM((16,), jnp.int32),
            pltpu.SemaphoreType.DMA,
        ],
    )
    return f(ne_lo, se_lo1, act32, parr)


def _widen(x32):
    return x32.astype(jnp.int64)


def kernel(action, next_relations, next_entities, start_entities,
           next_actions_new, placeholder_subject):
    del next_relations

    xt = jnp.transpose(next_actions_new.astype(jnp.int32), (0, 2, 1))
    ne_lo = next_entities.astype(jnp.int32)
    se_lo = start_entities.astype(jnp.int32)
    act32 = action.astype(jnp.int32)
    p0 = jnp.asarray(placeholder_subject, jnp.int32)
    parr = jnp.full((16,), p0)

    ce_lo = _run_sc(ne_lo, se_lo, act32, parr)
    rel32, ent32 = _run_tc(xt, se_lo[:, None], p0.reshape(1, 1))

    return (_widen(rel32), _widen(ent32), _widen(ce_lo))

# --- scband reference (transcript-rebuilt; emitter-appended) ---
"""Pipeline reference for scband-episode-38044820308117 (READ-ONLY COPY).

The authoritative reference and input builder live on the scoring server;
editing this copy changes nothing except your own understanding.
"""

import jax, jax.numpy as jnp
import numpy as np
jax.config.update('jax_enable_x64', True)

B = 10240  # no_examples(512) * num_rollouts(20)
A = 256    # max_num_actions
NE = 1000000
NR = 500

def setup_inputs(seed: int = 0) -> dict:
    key = jax.random.key(seed)
    k0, k1, k2, k3, k4 = jax.random.split(key, 5)
    action = jax.random.randint(k0, (B,), 0, A, dtype=jnp.int64)
    next_relations = jax.random.randint(k1, (B, A), 0, NR, dtype=jnp.int64)
    next_entities = jax.random.randint(k2, (B, A), 0, NE, dtype=jnp.int64)
    start_entities = jax.random.randint(k3, (B,), 0, NE, dtype=jnp.int64)
    next_actions_new = jax.random.randint(k4, (B, A, 2), 0, NE, dtype=jnp.int64)
    return {
        'action': action,
        'next_relations': next_relations,
        'next_entities': next_entities,
        'start_entities': start_entities,
        'next_actions_new': next_actions_new,
        'placeholder_subject': 0,
    }

def reference(action, next_relations, next_entities, start_entities, next_actions_new, placeholder_subject):
    # Faithful translation of Episode.__call__ tensor ops.
    # 1) Un-mask placeholder subject to recover true next entities
    true_next_entities = jnp.where(next_entities == placeholder_subject,
                                   start_entities[:, None],
                                   next_entities)
    # 2) Gather chosen next entity per rollout: true_next_entities[arange(B), action]
    current_entities = jnp.take_along_axis(true_next_entities, action[:, None], axis=1)[:, 0]
    # 3) Grapher returns next_actions (modeled as precomputed input next_actions_new)
    new_next_relations = next_actions_new[:, :, 1]
    new_next_entities = jnp.where(next_actions_new[:, :, 0] == start_entities[:, None],
                                  placeholder_subject,
                                  next_actions_new[:, :, 0])
    new_current_entities = jnp.where(current_entities == start_entities,
                                     placeholder_subject,
                                     current_entities)
    return (new_next_relations, new_next_entities, new_current_entities)

if __name__ == "__main__":
    import jax
    _d = setup_inputs()
    print(jax.jit(kernel)(*tuple(_d.values())))

</pallas_src>

<mosaic_0001>
#map = affine_map<(d0, d1) -> (0, 0)>
#map1 = affine_map<(d0, d1) -> (0)>
module attributes {stable_mosaic.version = 14 : i64} {
  func.func @_sc_body(%arg0: i32, %arg1: i32, %arg2: memref<10240x256xi32, #tpu.memory_space<hbm>>, %arg3: memref<10240xi32, #tpu.memory_space<hbm>>, %arg4: memref<10240xi32, #tpu.memory_space<hbm>>, %arg5: memref<16xi32, #tpu.memory_space<hbm>>, %arg6: memref<10240xi32, #tpu.memory_space<hbm>>, %arg7: memref<80x256xi32, #tpu.memory_space<vmem>>, %arg8: memref<320xi32, #tpu.memory_space<vmem>>, %arg9: memref<320xi32, #tpu.memory_space<vmem>>, %arg10: memref<80xi32, #tpu.memory_space<vmem>>, %arg11: memref<320xi32, #tpu.memory_space<vmem>>, %arg12: memref<16xi32, #tpu.memory_space<vmem>>, %arg13: memref<!tpu.dma_semaphore, #tpu.memory_space<semaphore_mem>>) attributes {dimension_semantics = [#tpu.dimension_semantics<core_parallel>, #tpu.dimension_semantics<subcore_parallel>], iteration_bounds = array<i64: 2, 16>, scalar_prefetch = 0 : i64, scratch_operands = 7 : i64, tpu.core_type = #tpu.core_type<sc_vector_subcore>, window_params = [{transform_indices = #map}, {transform_indices = #map1}, {transform_indices = #map1}, {transform_indices = #map1}, {transform_indices = #map1}]} {
    %iota3A = tpu.iota {dimensions = array<i32: 0>} : vector<16xi32>
    %mul3A = arith.constant 16 : i32
    %mul3A_0 = arith.muli %arg0, %mul3A : i32
    %add3A = arith.addi %mul3A_0, %arg1 : i32
    %mul3A_1 = arith.constant 320 : i32
    %mul3A_2 = arith.muli %add3A, %mul3A_1 : i32
    "tpu.region"() ({
      %run_scoped3A = tpu.sem_alloc : memref<!tpu.dma_semaphore, #tpu.memory_space<semaphore_mem>>
      %dma_start3A_429 = tpu.memref_slice %arg4[%mul3A_2] : memref<10240xi32, #tpu.memory_space<hbm>> -> memref<320xi32, #tpu.memory_space<hbm>>
      %dma_start3A_430 = tpu.memref_slice %arg4[%mul3A_2] : memref<10240xi32, #tpu.memory_space<hbm>> -> memref<320xi32, #tpu.memory_space<hbm>>
      tpu.enqueue_dma source(%dma_start3A_430 : memref<320xi32, #tpu.memory_space<hbm>>) target(%arg8 : memref<320xi32, #tpu.memory_space<vmem>>) target_semaphore(%run_scoped3A : memref<!tpu.dma_semaphore, #tpu.memory_space<semaphore_mem>>)
      %dma_wait3A_431 = tpu.memref_slice %arg4[%mul3A_2] : memref<10240xi32, #tpu.memory_space<hbm>> -> memref<320xi32, #tpu.memory_space<hbm>>
      %dma_wait3A_432 = tpu.memref_slice %arg4[%mul3A_2] : memref<10240xi32, #tpu.memory_space<hbm>> -> memref<320xi32, #tpu.memory_space<hbm>>
      tpu.wait_dma2 semaphore(%run_scoped3A : memref<!tpu.dma_semaphore, #tpu.memory_space<semaphore_mem>>) src(%dma_wait3A_432 : memref<320xi32, #tpu.memory_space<hbm>>) dst(%arg8 : memref<320xi32, #tpu.memory_space<vmem>>)
      tpu.yield
    }) : () -> ()
    "tpu.region"() ({
      %run_scoped3A = tpu.sem_alloc : memref<!tpu.dma_semaphore, #tpu.memory_space<semaphore_mem>>
      %dma_start3A_429 = tpu.memref_slice %arg3[%mul3A_2] : memref<10240xi32, #tpu.memory_space<hbm>> -> memref<320xi32, #tpu.memory_space<hbm>>
      %dma_start3A_430 = tpu.memref_slice %arg3[%mul3A_2] : memref<10240xi32, #tpu.memory_space<hbm>> -> memref<320xi32, #tpu.memory_space<hbm>>
      tpu.enqueue_dma source(%dma_start3A_430 : memref<320xi32, #tpu.memory_space<hbm>>) target(%arg9 : memref<320xi32, #tpu.memory_space<vmem>>) target_semaphore(%run_scoped3A : memref<!tpu.dma_semaphore, #tpu.memory_space<semaphore_mem>>)
      %dma_wait3A_431 = tpu.memref_slice %arg3[%mul3A_2] : memref<10240xi32, #tpu.memory_space<hbm>> -> memref<320xi32, #tpu.memory_space<hbm>>
      %dma_wait3A_432 = tpu.memref_slice %arg3[%mul3A_2] : memref<10240xi32, #tpu.memory_space<hbm>> -> memref<320xi32, #tpu.memory_space<hbm>>
      tpu.wait_dma2 semaphore(%run_scoped3A : memref<!tpu.dma_semaphore, #tpu.memory_space<semaphore_mem>>) src(%dma_wait3A_432 : memref<320xi32, #tpu.memory_space<hbm>>) dst(%arg9 : memref<320xi32, #tpu.memory_space<vmem>>)
      tpu.yield
    }) : () -> ()
    "tpu.region"() ({
      %run_scoped3A = tpu.sem_alloc : memref<!tpu.dma_semaphore, #tpu.memory_space<semaphore_mem>>
      tpu.enqueue_dma source(%arg5 : memref<16xi32, #tpu.memory_space<hbm>>) target(%arg12 : memref<16xi32, #tpu.memory_space<vmem>>) target_semaphore(%run_scoped3A : memref<!tpu.dma_semaphore, #tpu.memory_space<semaphore_mem>>)
      tpu.wait_dma2 semaphore(%run_scoped3A : memref<!tpu.dma_semaphore, #tpu.memory_space<semaphore_mem>>) src(%arg5 : memref<16xi32, #tpu.memory_space<hbm>>) dst(%arg12 : memref<16xi32, #tpu.memory_space<vmem>>)
      tpu.yield
    }) : () -> ()
    %get3A = arith.constant 0 : index
    %get3A_3 = tpu.vector_load %arg12[%get3A] {strides = array<i32>} : memref<16xi32, #tpu.memory_space<vmem>>, vector<16xi32>,
    %add3A_4 = arith.constant 0 : i32
    %add3A_5 = arith.addi %mul3A_2, %add3A_4 : i32
    %add3A_6 = arith.constant 0 : i32
    %add3A_7 = arith.addi %add3A_5, %add3A_6 : i32
    %add3A_8 = vector.broadcast %add3A_7 : i32 to vector<16xi32>
    %add3A_9 = arith.addi %add3A_8, %iota3A : vector<16xi32>
    %swap3A = arith.constant 0 : index
    %swap3A_10 = tpu.vector_load %arg10[%swap3A] {strides = array<i32>} : memref<80xi32, #tpu.memory_space<vmem>>, vector<16xi32>,
    tpu.vector_store %arg10[%swap3A], %add3A_9 {strides = array<i32>} : memref<80xi32, #tpu.memory_space<vmem>>, vector<16xi32>,
    %add3A_11 = arith.constant 16 : i32
    %add3A_12 = arith.addi %add3A_5, %add3A_11 : i32
    %add3A_13 = vector.broadcast %add3A_12 : i32 to vector<16xi32>
    %add3A_14 = arith.addi %add3A_13, %iota3A : vector<16xi32>
    %swap3A_15 = arith.constant 16 : index
    %swap3A_16 = tpu.vector_load %arg10[%swap3A_15] {strides = array<i32>} : memref<80xi32, #tpu.memory_space<vmem>>, vector<16xi32>,
    tpu.vector_store %arg10[%swap3A_15], %add3A_14 {strides = array<i32>} : memref<80xi32, #tpu.memory_space<vmem>>, vector<16xi32>,
    %add3A_17 = arith.constant 32 : i32
    %add3A_18 = arith.addi %add3A_5, %add3A_17 : i32
    %add3A_19 = vector.broadcast %add3A_18 : i32 to vector<16xi32>
    %add3A_20 = arith.addi %add3A_19, %iota3A : vector<16xi32>
    %swap3A_21 = arith.constant 32 : index
    %swap3A_22 = tpu.vector_load %arg10[%swap3A_21] {strides = array<i32>} : memref<80xi32, #tpu.memory_space<vmem>>, vector<16xi32>,
    tpu.vector_store %arg10[%swap3A_21], %add3A_20 {strides = array<i32>} : memref<80xi32, #tpu.memory_space<vmem>>, vector<16xi32>,
    %add3A_23 = arith.constant 48 : i32
    %add3A_24 = arith.addi %add3A_5, %add3A_23 : i32
    %add3A_25 = vector.broadcast %add3A_24 : i32 to vector<16xi32>
    %add3A_26 = arith.addi %add3A_25, %iota3A : vector<16xi32>
    %swap3A_27 = arith.constant 48 : index
    %swap3A_28 = tpu.vector_load %arg10[%swap3A_27] {strides = array<i32>} : memref<80xi32, #tpu.memory_space<vmem>>, vector<16xi32>,
    tpu.vector_store %arg10[%swap3A_27], %add3A_26 {strides = array<i32>} : memref<80xi32, #tpu.memory_space<vmem>>, vector<16xi32>,
    %add3A_29 = arith.constant 64 : i32
    %add3A_30 = arith.addi %add3A_5, %add3A_29 : i32
    %add3A_31 = vector.broadcast %add3A_30 : i32 to vector<16xi32>
    %add3A_32 = arith.addi %add3A_31, %iota3A : vector<16xi32>
    %swap3A_33 = arith.constant 64 : index
    %swap3A_34 = tpu.vector_load %arg10[%swap3A_33] {strides = array<i32>} : memref<80xi32, #tpu.memory_space<vmem>>, vector<16xi32>,
    tpu.vector_store %arg10[%swap3A_33], %add3A_32 {strides = array<i32>} : memref<80xi32, #tpu.memory_space<vmem>>, vector<16xi32>,
    %dma_start3A = arith.constant 0 : i32
    %dma_start3A_35 = arith.constant 0 : i32
    %dma_start3A_36 = tpu.memref_slice %arg2[%dma_start3A, %dma_start3A_35] : memref<10240x256xi32, #tpu.memory_space<hbm>> -> memref<10240x256xi32, #tpu.memory_space<hbm>>
    tpu.enqueue_indirect_dma source(%dma_start3A_36 : memref<10240x256xi32, #tpu.memory_space<hbm>>) target(%arg7 : memref<80x256xi32, #tpu.memory_space<vmem>>) offsets(%arg10 : memref<80xi32, #tpu.memory_space<vmem>>) semaphore(%arg13 : memref<!tpu.dma_semaphore, #tpu.memory_space<semaphore_mem>>)
    %dma_wait3A = arith.constant 0 : i32
    %dma_wait3A_37 = arith.constant 0 : i32
    %dma_wait3A_38 = tpu.memref_slice %arg2[%dma_wait3A, %dma_wait3A_37] : memref<10240x256xi32, #tpu.memory_space<hbm>> -> memref<10240x256xi32, #tpu.memory_space<hbm>>
    tpu.wait_indirect_dma semaphore(%arg13 : memref<!tpu.dma_semaphore, #tpu.memory_space<semaphore_mem>>) src(%dma_wait3A_38 : memref<10240x256xi32, #tpu.memory_space<hbm>>) dst(%arg7 : memref<80x256xi32, #tpu.memory_space<vmem>>)
    %get3A_39 = arith.constant 0 : index
    %get3A_40 = tpu.vector_load %arg8[%get3A_39] {strides = array<i32>} : memref<320xi32, #tpu.memory_space<vmem>>, vector<16xi32>,
    %add3A_41 = arith.constant 0 : i32
    %add3A_42 = vector.broadcast %add3A_41 : i32 to vector<16xi32>
    %add3A_43 = arith.addi %add3A_42, %iota3A : vector<16xi32>
    %gather3A = tpu.vector_load_idx %arg7[%add3A_43, %get3A_40] : memref<80x256xi32, #tpu.memory_space<vmem>>[vector<16xi32>, vector<16xi32>], vector<16xi32>,
    %get3A_44 = arith.constant 0 : index
    %get3A_45 = tpu.vector_load %arg9[%get3A_44] {strides = array<i32>} : memref<320xi32, #tpu.memory_space<vmem>>, vector<16xi32>,
    %eq3A = arith.cmpi eq, %gather3A, %get3A_3 : vector<16xi32>
    %eq3A_46 = arith.cmpi eq, %gather3A, %get3A_45 : vector<16xi32>
    %or3A = arith.ori %eq3A, %eq3A_46 : vector<16xi1>
    %select_n3A = arith.select %or3A, %get3A_3, %gather3A : vector<16xi1>, vector<16xi32>
    %swap3A_47 = arith.constant 0 : index
    %swap3A_48 = tpu.vector_load %arg11[%swap3A_47] {strides = array<i32>} : memref<320xi32, #tpu.memory_space<vmem>>, vector<16xi32>,
    tpu.vector_store %arg11[%swap3A_47], %select_n3A {strides = array<i32>} : memref<320xi32, #tpu.memory_space<vmem>>, vector<16xi32>,
    %get3A_49 = arith.constant 16 : index
    %get3A_50 = tpu.vector_load %arg8[%get3A_49] {strides = array<i32>} : memref<320xi32, #tpu.memory_space<vmem>>, vector<16xi32>,
    %add3A_51 = arith.constant 16 : i32
    %add3A_52 = vector.broadcast %add3A_51 : i32 to vector<16xi32>
    %add3A_53 = arith.addi %add3A_52, %iota3A : vector<16xi32>
    %gather3A_54 = tpu.vector_load_idx %arg7[%add3A_53, %get3A_50] : memref<80x256xi32, #tpu.memory_space<vmem>>[vector<16xi32>, vector<16xi32>], vector<16xi32>,
    %get3A_55 = arith.constant 16 : index
    %get3A_56 = tpu.vector_load %arg9[%get3A_55] {strides = array<i32>} : memref<320xi32, #tpu.memory_space<vmem>>, vector<16xi32>,
    %eq3A_57 = arith.cmpi eq, %gather3A_54, %get3A_3 : vector<16xi32>
    %eq3A_58 = arith.cmpi eq, %gather3A_54, %get3A_56 : vector<16xi32>
    %or3A_59 = arith.ori %eq3A_57, %eq3A_58 : vector<16xi1>
    %select_n3A_60 = arith.select %or3A_59, %get3A_3, %gather3A_54 : vector<16xi1>, vector<16xi32>
    %swap3A_61 = arith.constant 16 : index
    %swap3A_62 = tpu.vector_load %arg11[%swap3A_61] {strides = array<i32>} : memref<320xi32, #tpu.memory_space<vmem>>, vector<16xi32>,
    tpu.vector_store %arg11[%swap3A_61], %select_n3A_60 {strides = array<i32>} : memref<320xi32, #tpu.memory_space<vmem>>, vector<16xi32>,
    %get3A_63 = arith.constant 32 : index
    %get3A_64 = tpu.vector_load %arg8[%get3A_63] {strides = array<i32>} : memref<320xi32, #tpu.memory_space<vmem>>, vector<16xi32>,
    %add3A_65 = arith.constant 32 : i32
    %add3A_66 = vector.broadcast %add3A_65 : i32 to vector<16xi32>
    %add3A_67 = arith.addi %add3A_66, %iota3A : vector<16xi32>
    %gather3A_68 = tpu.vector_load_idx %arg7[%add3A_67, %get3A_64] : memref<80x256xi32, #tpu.memory_space<vmem>>[vector<16xi32>, vector<16xi32>], vector<16xi32>,
    %get3A_69 = arith.constant 32 : index
    %get3A_70 = tpu.vector_load %arg9[%get3A_69] {strides = array<i32>} : memref<320xi32, #tpu.memory_space<vmem>>, vector<16xi32>,
    %eq3A_71 = arith.cmpi eq, %gather3A_68, %get3A_3 : vector<16xi32>
    %eq3A_72 = arith.cmpi eq, %gather3A_68, %get3A_70 : vector<16xi32>
    %or3A_73 = arith.ori %eq3A_71, %eq3A_72 : vector<16xi1>
    %select_n3A_74 = arith.select %or3A_73, %get3A_3, %gather3A_68 : vector<16xi1>, vector<16xi32>
    %swap3A_75 = arith.constant 32 : index
    %swap3A_76 = tpu.vector_load %arg11[%swap3A_75] {strides = array<i32>} : memref<320xi32, #tpu.memory_space<vmem>>, vector<16xi32>,
    tpu.vector_store %arg11[%swap3A_75], %select_n3A_74 {strides = array<i32>} : memref<320xi32, #tpu.memory_space<vmem>>, vector<16xi32>,
    %get3A_77 = arith.constant 48 : index
    %get3A_78 = tpu.vector_load %arg8[%get3A_77] {strides = array<i32>} : memref<320xi32, #tpu.memory_space<vmem>>, vector<16xi32>,
    %add3A_79 = arith.constant 48 : i32
    %add3A_80 = vector.broadcast %add3A_79 : i32 to vector<16xi32>
    %add3A_81 = arith.addi %add3A_80, %iota3A : vector<16xi32>
    %gather3A_82 = tpu.vector_load_idx %arg7[%add3A_81, %get3A_78] : memref<80x256xi32, #tpu.memory_space<vmem>>[vector<16xi32>, vector<16xi32>], vector<16xi32>,
    %get3A_83 = arith.constant 48 : index
    %get3A_84 = tpu.vector_load %arg9[%get3A_83] {strides = array<i32>} : memref<320xi32, #tpu.memory_space<vmem>>, vector<16xi32>,
    %eq3A_85 = arith.cmpi eq, %gather3A_82, %get3A_3 : vector<16xi32>
    %eq3A_86 = arith.cmpi eq, %gather3A_82, %get3A_84 : vector<16xi32>
    %or3A_87 = arith.ori %eq3A_85, %eq3A_86 : vector<16xi1>
    %select_n3A_88 = arith.select %or3A_87, %get3A_3, %gather3A_82 : vector<16xi1>, vector<16xi32>
    %swap3A_89 = arith.constant 48 : index
    %swap3A_90 = tpu.vector_load %arg11[%swap3A_89] {strides = array<i32>} : memref<320xi32, #tpu.memory_space<vmem>>, vector<16xi32>,
    tpu.vector_store %arg11[%swap3A_89], %select_n3A_88 {strides = array<i32>} : memref<320xi32, #tpu.memory_space<vmem>>, vector<16xi32>,
    %get3A_91 = arith.constant 64 : index
    %get3A_92 = tpu.vector_load %arg8[%get3A_91] {strides = array<i32>} : memref<320xi32, #tpu.memory_space<vmem>>, vector<16xi32>,
    %add3A_93 = arith.constant 64 : i32
    %add3A_94 = vector.broadcast %add3A_93 : i32 to vector<16xi32>
    %add3A_95 = arith.addi %add3A_94, %iota3A : vector<16xi32>
    %gather3A_96 = tpu.vector_load_idx %arg7[%add3A_95, %get3A_92] : memref<80x256xi32, #tpu.memory_space<vmem>>[vector<16xi32>, vector<16xi32>], vector<16xi32>,
    %get3A_97 = arith.constant 64 : index
    %get3A_98 = tpu.vector_load %arg9[%get3A_97] {strides = array<i32>} : memref<320xi32, #tpu.memory_space<vmem>>, vector<16xi32>,
    %eq3A_99 = arith.cmpi eq, %gather3A_96, %get3A_3 : vector<16xi32>
    %eq3A_100 = arith.cmpi eq, %gather3A_96, %get3A_98 : vector<16xi32>
    %or3A_101 = arith.ori %eq3A_99, %eq3A_100 : vector<16xi1>
    %select_n3A_102 = arith.select %or3A_101, %get3A_3, %gather3A_96 : vector<16xi1>, vector<16xi32>
    %swap3A_103 = arith.constant 64 : index
    %swap3A_104 = tpu.vector_load %arg11[%swap3A_103] {strides = array<i32>} : memref<320xi32, #tpu.memory_space<vmem>>, vector<16xi32>,
    tpu.vector_store %arg11[%swap3A_103], %select_n3A_102 {strides = array<i32>} : memref<320xi32, #tpu.memory_space<vmem>>, vector<16xi32>,
    %add3A_105 = arith.constant 80 : i32
    %add3A_106 = arith.addi %mul3A_2, %add3A_105 : i32
    %add3A_107 = arith.constant 0 : i32
    %add3A_108 = arith.addi %add3A_106, %add3A_107 : i32
    %add3A_109 = vector.broadcast %add3A_108 : i32 to vector<16xi32>
    %add3A_110 = arith.addi %add3A_109, %iota3A : vector<16xi32>
    %swap3A_111 = arith.constant 0 : index
    %swap3A_112 = tpu.vector_load %arg10[%swap3A_111] {strides = array<i32>} : memref<80xi32, #tpu.memory_space<vmem>>, vector<16xi32>,
    tpu.vector_store %arg10[%swap3A_111], %add3A_110 {strides = array<i32>} : memref<80xi32, #tpu.memory_space<vmem>>, vector<16xi32>,
    %add3A_113 = arith.constant 16 : i32
    %add3A_114 = arith.addi %add3A_106, %add3A_113 : i32
    %add3A_115 = vector.broadcast %add3A_114 : i32 to vector<16xi32>
    %add3A_116 = arith.addi %add3A_115, %iota3A : vector<16xi32>
    %swap3A_117 = arith.constant 16 : index
    %swap3A_118 = tpu.vector_load %arg10[%swap3A_117] {strides = array<i32>} : memref<80xi32, #tpu.memory_space<vmem>>, vector<16xi32>,
    tpu.vector_store %arg10[%swap3A_117], %add3A_116 {strides = array<i32>} : memref<80xi32, #tpu.memory_space<vmem>>, vector<16xi32>,
    %add3A_119 = arith.constant 32 : i32
    %add3A_120 = arith.addi %add3A_106, %add3A_119 : i32
    %add3A_121 = vector.broadcast %add3A_120 : i32 to vector<16xi32>
    %add3A_122 = arith.addi %add3A_121, %iota3A : vector<16xi32>
    %swap3A_123 = arith.constant 32 : index
    %swap3A_124 = tpu.vector_load %arg10[%swap3A_123] {strides = array<i32>} : memref<80xi32, #tpu.memory_space<vmem>>, vector<16xi32>,
    tpu.vector_store %arg10[%swap3A_123], %add3A_122 {strides = array<i32>} : memref<80xi32, #tpu.memory_space<vmem>>, vector<16xi32>,
    %add3A_125 = arith.constant 48 : i32
    %add3A_126 = arith.addi %add3A_106, %add3A_125 : i32
    %add3A_127 = vector.broadcast %add3A_126 : i32 to vector<16xi32>
    %add3A_128 = arith.addi %add3A_127, %iota3A : vector<16xi32>
    %swap3A_129 = arith.constant 48 : index
    %swap3A_130 = tpu.vector_load %arg10[%swap3A_129] {strides = array<i32>} : memref<80xi32, #tpu.memory_space<vmem>>, vector<16xi32>,
    tpu.vector_store %arg10[%swap3A_129], %add3A_128 {strides = array<i32>} : memref<80xi32, #tpu.memory_space<vmem>>, vector<16xi32>,
    %add3A_131 = arith.constant 64 : i32
    %add3A_132 = arith.addi %add3A_106, %add3A_131 : i32
    %add3A_133 = vector.broadcast %add3A_132 : i32 to vector<16xi32>
    %add3A_134 = arith.addi %add3A_133, %iota3A : vector<16xi32>
    %swap3A_135 = arith.constant 64 : index
    %swap3A_136 = tpu.vector_load %arg10[%swap3A_135] {strides = array<i32>} : memref<80xi32, #tpu.memory_space<vmem>>, vector<16xi32>,
    tpu.vector_store %arg10[%swap3A_135], %add3A_134 {strides = array<i32>} : memref<80xi32, #tpu.memory_space<vmem>>, vector<16xi32>,
    %dma_start3A_137 = arith.constant 0 : i32
    %dma_start3A_138 = arith.constant 0 : i32
    %dma_start3A_139 = tpu.memref_slice %arg2[%dma_start3A_137, %dma_start3A_138] : memref<10240x256xi32, #tpu.memory_space<hbm>> -> memref<10240x256xi32, #tpu.memory_space<hbm>>
    tpu.enqueue_indirect_dma source(%dma_start3A_139 : memref<10240x256xi32, #tpu.memory_space<hbm>>) target(%arg7 : memref<80x256xi32, #tpu.memory_space<vmem>>) offsets(%arg10 : memref<80xi32, #tpu.memory_space<vmem>>) semaphore(%arg13 : memref<!tpu.dma_semaphore, #tpu.memory_space<semaphore_mem>>)
    %dma_wait3A_140 = arith.constant 0 : i32
    %dma_wait3A_141 = arith.constant 0 : i32
    %dma_wait3A_142 = tpu.memref_slice %arg2[%dma_wait3A_140, %dma_wait3A_141] : memref<10240x256xi32, #tpu.memory_space<hbm>> -> memref<10240x256xi32, #tpu.memory_space<hbm>>
    tpu.wait_indirect_dma semaphore(%arg13 : memref<!tpu.dma_semaphore, #tpu.memory_space<semaphore_mem>>) src(%dma_wait3A_142 : memref<10240x256xi32, #tpu.memory_space<hbm>>) dst(%arg7 : memref<80x256xi32, #tpu.memory_space<vmem>>)
    %get3A_143 = arith.constant 80 : index
    %get3A_144 = tpu.vector_load %arg8[%get3A_143] {strides = array<i32>} : memref<320xi32, #tpu.memory_space<vmem>>, vector<16xi32>,
    %add3A_145 = arith.constant 0 : i32
    %add3A_146 = vector.broadcast %add3A_145 : i32 to vector<16xi32>
    %add3A_147 = arith.addi %add3A_146, %iota3A : vector<16xi32>
    %gather3A_148 = tpu.vector_load_idx %arg7[%add3A_147, %get3A_144] : memref<80x256xi32, #tpu.memory_space<vmem>>[vector<16xi32>, vector<16xi32>], vector<16xi32>,
    %get3A_149 = arith.constant 80 : index
    %get3A_150 = tpu.vector_load %arg9[%get3A_149] {strides = array<i32>} : memref<320xi32, #tpu.memory_space<vmem>>, vector<16xi32>,
    %eq3A_151 = arith.cmpi eq, %gather3A_148, %get3A_3 : vector<16xi32>
    %eq3A_152 = arith.cmpi eq, %gather3A_148, %get3A_150 : vector<16xi32>
    %or3A_153 = arith.ori %eq3A_151, %eq3A_152 : vector<16xi1>
    %select_n3A_154 = arith.select %or3A_153, %get3A_3, %gather3A_148 : vector<16xi1>, vector<16xi32>
    %swap3A_155 = arith.constant 80 : index
    %swap3A_156 = tpu.vector_load %arg11[%swap3A_155] {strides = array<i32>} : memref<320xi32, #tpu.memory_space<vmem>>, vector<16xi32>,
    tpu.vector_store %arg11[%swap3A_155], %select_n3A_154 {strides = array<i32>} : memref<320xi32, #tpu.memory_space<vmem>>, vector<16xi32>,
    %get3A_157 = arith.constant 96 : index
    %get3A_158 = tpu.vector_load %arg8[%get3A_157] {strides = array<i32>} : memref<320xi32, #tpu.memory_space<vmem>>, vector<16xi32>,
    %add3A_159 = arith.constant 16 : i32
    %add3A_160 = vector.broadcast %add3A_159 : i32 to vector<16xi32>
    %add3A_161 = arith.addi %add3A_160, %iota3A : vector<16xi32>
    %gather3A_162 = tpu.vector_load_idx %arg7[%add3A_161, %get3A_158] : memref<80x256xi32, #tpu.memory_space<vmem>>[vector<16xi32>, vector<16xi32>], vector<16xi32>,
    %get3A_163 = arith.constant 96 : index
    %get3A_164 = tpu.vector_load %arg9[%get3A_163] {strides = array<i32>} : memref<320xi32, #tpu.memory_space<vmem>>, vector<16xi32>,
    %eq3A_165 = arith.cmpi eq, %gather3A_162, %get3A_3 : vector<16xi32>
    %eq3A_166 = arith.cmpi eq, %gather3A_162, %get3A_164 : vector<16xi32>
    %or3A_167 = arith.ori %eq3A_165, %eq3A_166 : vector<16xi1>
    %select_n3A_168 = arith.select %or3A_167, %get3A_3, %gather3A_162 : vector<16xi1>, vector<16xi32>
    %swap3A_169 = arith.constant 96 : index
    %swap3A_170 = tpu.vector_load %arg11[%swap3A_169] {strides = array<i32>} : memref<320xi32, #tpu.memory_space<vmem>>, vector<16xi32>,
    tpu.vector_store %arg11[%swap3A_169], %select_n3A_168 {strides = array<i32>} : memref<320xi32, #tpu.memory_space<vmem>>, vector<16xi32>,
    %get3A_171 = arith.constant 112 : index
    %get3A_172 = tpu.vector_load %arg8[%get3A_171] {strides = array<i32>} : memref<320xi32, #tpu.memory_space<vmem>>, vector<16xi32>,
    %add3A_173 = arith.constant 32 : i32
    %add3A_174 = vector.broadcast %add3A_173 : i32 to vector<16xi32>
    %add3A_175 = arith.addi %add3A_174, %iota3A : vector<16xi32>
    %gather3A_176 = tpu.vector_load_idx %arg7[%add3A_175, %get3A_172] : memref<80x256xi32, #tpu.memory_space<vmem>>[vector<16xi32>, vector<16xi32>], vector<16xi32>,
    %get3A_177 = arith.constant 112 : index
    %get3A_178 = tpu.vector_load %arg9[%get3A_177] {strides = array<i32>} : memref<320xi32, #tpu.memory_space<vmem>>, vector<16xi32>,
    %eq3A_179 = arith.cmpi eq, %gather3A_176, %get3A_3 : vector<16xi32>
    %eq3A_180 = arith.cmpi eq, %gather3A_176, %get3A_178 : vector<16xi32>
    %or3A_181 = arith.ori %eq3A_179, %eq3A_180 : vector<16xi1>
    %select_n3A_182 = arith.select %or3A_181, %get3A_3, %gather3A_176 : vector<16xi1>, vector<16xi32>
    %swap3A_183 = arith.constant 112 : index
    %swap3A_184 = tpu.vector_load %arg11[%swap3A_183] {strides = array<i32>} : memref<320xi32, #tpu.memory_space<vmem>>, vector<16xi32>,
    tpu.vector_store %arg11[%swap3A_183], %select_n3A_182 {strides = array<i32>} : memref<320xi32, #tpu.memory_space<vmem>>, vector<16xi32>,
    %get3A_185 = arith.constant 128 : index
    %get3A_186 = tpu.vector_load %arg8[%get3A_185] {strides = array<i32>} : memref<320xi32, #tpu.memory_space<vmem>>, vector<16xi32>,
    %add3A_187 = arith.constant 48 : i32
    %add3A_188 = vector.broadcast %add3A_187 : i32 to vector<16xi32>
    %add3A_189 = arith.addi %add3A_188, %iota3A : vector<16xi32>
    %gather3A_190 = tpu.vector_load_idx %arg7[%add3A_189, %get3A_186] : memref<80x256xi32, #tpu.memory_space<vmem>>[vector<16xi32>, vector<16xi32>], vector<16xi32>,
    %get3A_191 = arith.constant 128 : index
    %get3A_192 = tpu.vector_load %arg9[%get3A_191] {strides = array<i32>} : memref<320xi32, #tpu.memory_space<vmem>>, vector<16xi32>,
    %eq3A_193 = arith.cmpi eq, %gather3A_190, %get3A_3 : vector<16xi32>
    %eq3A_194 = arith.cmpi eq, %gather3A_190, %get3A_192 : vector<16xi32>
    %or3A_195 = arith.ori %eq3A_193, %eq3A_194 : vector<16xi1>
    %select_n3A_196 = arith.select %or3A_195, %get3A_3, %gather3A_190 : vector<16xi1>, vector<16xi32>
    %swap3A_197 = arith.constant 128 : index
    %swap3A_198 = tpu.vector_load %arg11[%swap3A_197] {strides = array<i32>} : memref<320xi32, #tpu.memory_space<vmem>>, vector<16xi32>,
    tpu.vector_store %arg11[%swap3A_197], %select_n3A_196 {strides = array<i32>} : memref<320xi32, #tpu.memory_space<vmem>>, vector<16xi32>,
    %get3A_199 = arith.constant 144 : index
    %get3A_200 = tpu.vector_load %arg8[%get3A_199] {strides = array<i32>} : memref<320xi32, #tpu.memory_space<vmem>>, vector<16xi32>,
    %add3A_201 = arith.constant 64 : i32
    %add3A_202 = vector.broadcast %add3A_201 : i32 to vector<16xi32>
    %add3A_203 = arith.addi %add3A_202, %iota3A : vector<16xi32>
    %gather3A_204 = tpu.vector_load_idx %arg7[%add3A_203, %get3A_200] : memref<80x256xi32, #tpu.memory_space<vmem>>[vector<16xi32>, vector<16xi32>], vector<16xi32>,
    %get3A_205 = arith.constant 144 : index
    %get3A_206 = tpu.vector_load %arg9[%get3A_205] {strides = array<i32>} : memref<320xi32, #tpu.memory_space<vmem>>, vector<16xi32>,
    %eq3A_207 = arith.cmpi eq, %gather3A_204, %get3A_3 : vector<16xi32>
    %eq3A_208 = arith.cmpi eq, %gather3A_204, %get3A_206 : vector<16xi32>
    %or3A_209 = arith.ori %eq3A_207, %eq3A_208 : vector<16xi1>
    %select_n3A_210 = arith.select %or3A_209, %get3A_3, %gather3A_204 : vector<16xi1>, vector<16xi32>
    %swap3A_211 = arith.constant 144 : index
    %swap3A_212 = tpu.vector_load %arg11[%swap3A_211] {strides = array<i32>} : memref<320xi32, #tpu.memory_space<vmem>>, vector<16xi32>,
    tpu.vector_store %arg11[%swap3A_211], %select_n3A_210 {strides = array<i32>} : memref<320xi32, #tpu.memory_space<vmem>>, vector<16xi32>,
    %add3A_213 = arith.constant 160 : i32
    %add3A_214 = arith.addi %mul3A_2, %add3A_213 : i32
    %add3A_215 = arith.constant 0 : i32
    %add3A_216 = arith.addi %add3A_214, %add3A_215 : i32
    %add3A_217 = vector.broadcast %add3A_216 : i32 to vector<16xi32>
    %add3A_218 = arith.addi %add3A_217, %iota3A : vector<16xi32>
    %swap3A_219 = arith.constant 0 : index
    %swap3A_220 = tpu.vector_load %arg10[%swap3A_219] {strides = array<i32>} : memref<80xi32, #tpu.memory_space<vmem>>, vector<16xi32>,
    tpu.vector_store %arg10[%swap3A_219], %add3A_218 {strides = array<i32>} : memref<80xi32, #tpu.memory_space<vmem>>, vector<16xi32>,
    %add3A_221 = arith.constant 16 : i32
    %add3A_222 = arith.addi %add3A_214, %add3A_221 : i32
    %add3A_223 = vector.broadcast %add3A_222 : i32 to vector<16xi32>
    %add3A_224 = arith.addi %add3A_223, %iota3A : vector<16xi32>
    %swap3A_225 = arith.constant 16 : index
    %swap3A_226 = tpu.vector_load %arg10[%swap3A_225] {strides = array<i32>} : memref<80xi32, #tpu.memory_space<vmem>>, vector<16xi32>,
    tpu.vector_store %arg10[%swap3A_225], %add3A_224 {strides = array<i32>} : memref<80xi32, #tpu.memory_space<vmem>>, vector<16xi32>,
    %add3A_227 = arith.constant 32 : i32
    %add3A_228 = arith.addi %add3A_214, %add3A_227 : i32
    %add3A_229 = vector.broadcast %add3A_228 : i32 to vector<16xi32>
    %add3A_230 = arith.addi %add3A_229, %iota3A : vector<16xi32>
    %swap3A_231 = arith.constant 32 : index
    %swap3A_232 = tpu.vector_load %arg10[%swap3A_231] {strides = array<i32>} : memref<80xi32, #tpu.memory_space<vmem>>, vector<16xi32>,
    tpu.vector_store %arg10[%swap3A_231], %add3A_230 {strides = array<i32>} : memref<80xi32, #tpu.memory_space<vmem>>, vector<16xi32>,
    %add3A_233 = arith.constant 48 : i32
    %add3A_234 = arith.addi %add3A_214, %add3A_233 : i32
    %add3A_235 = vector.broadcast %add3A_234 : i32 to vector<16xi32>
    %add3A_236 = arith.addi %add3A_235, %iota3A : vector<16xi32>
    %swap3A_237 = arith.constant 48 : index
    %swap3A_238 = tpu.vector_load %arg10[%swap3A_237] {strides = array<i32>} : memref<80xi32, #tpu.memory_space<vmem>>, vector<16xi32>,
    tpu.vector_store %arg10[%swap3A_237], %add3A_236 {strides = array<i32>} : memref<80xi32, #tpu.memory_space<vmem>>, vector<16xi32>,
    %add3A_239 = arith.constant 64 : i32
    %add3A_240 = arith.addi %add3A_214, %add3A_239 : i32
    %add3A_241 = vector.broadcast %add3A_240 : i32 to vector<16xi32>
    %add3A_242 = arith.addi %add3A_241, %iota3A : vector<16xi32>
    %swap3A_243 = arith.constant 64 : index
    %swap3A_244 = tpu.vector_load %arg10[%swap3A_243] {strides = array<i32>} : memref<80xi32, #tpu.memory_space<vmem>>, vector<16xi32>,
    tpu.vector_store %arg10[%swap3A_243], %add3A_242 {strides = array<i32>} : memref<80xi32, #tpu.memory_space<vmem>>, vector<16xi32>,
    %dma_start3A_245 = arith.constant 0 : i32
    %dma_start3A_246 = arith.constant 0 : i32
    %dma_start3A_247 = tpu.memref_slice %arg2[%dma_start3A_245, %dma_start3A_246] : memref<10240x256xi32, #tpu.memory_space<hbm>> -> memref<10240x256xi32, #tpu.memory_space<hbm>>
    tpu.enqueue_indirect_dma source(%dma_start3A_247 : memref<10240x256xi32, #tpu.memory_space<hbm>>) target(%arg7 : memref<80x256xi32, #tpu.memory_space<vmem>>) offsets(%arg10 : memref<80xi32, #tpu.memory_space<vmem>>) semaphore(%arg13 : memref<!tpu.dma_semaphore, #tpu.memory_space<semaphore_mem>>)
    %dma_wait3A_248 = arith.constant 0 : i32
    %dma_wait3A_249 = arith.constant 0 : i32
    %dma_wait3A_250 = tpu.memref_slice %arg2[%dma_wait3A_248, %dma_wait3A_249] : memref<10240x256xi32, #tpu.memory_space<hbm>> -> memref<10240x256xi32, #tpu.memory_space<hbm>>
    tpu.wait_indirect_dma semaphore(%arg13 : memref<!tpu.dma_semaphore, #tpu.memory_space<semaphore_mem>>) src(%dma_wait3A_250 : memref<10240x256xi32, #tpu.memory_space<hbm>>) dst(%arg7 : memref<80x256xi32, #tpu.memory_space<vmem>>)
    %get3A_251 = arith.constant 160 : index
    %get3A_252 = tpu.vector_load %arg8[%get3A_251] {strides = array<i32>} : memref<320xi32, #tpu.memory_space<vmem>>, vector<16xi32>,
    %add3A_253 = arith.constant 0 : i32
    %add3A_254 = vector.broadcast %add3A_253 : i32 to vector<16xi32>
    %add3A_255 = arith.addi %add3A_254, %iota3A : vector<16xi32>
    %gather3A_256 = tpu.vector_load_idx %arg7[%add3A_255, %get3A_252] : memref<80x256xi32, #tpu.memory_space<vmem>>[vector<16xi32>, vector<16xi32>], vector<16xi32>,
    %get3A_257 = arith.constant 160 : index
    %get3A_258 = tpu.vector_load %arg9[%get3A_257] {strides = array<i32>} : memref<320xi32, #tpu.memory_space<vmem>>, vector<16xi32>,
    %eq3A_259 = arith.cmpi eq, %gather3A_256, %get3A_3 : vector<16xi32>
    %eq3A_260 = arith.cmpi eq, %gather3A_256, %get3A_258 : vector<16xi32>
    %or3A_261 = arith.ori %eq3A_259, %eq3A_260 : vector<16xi1>
    %select_n3A_262 = arith.select %or3A_261, %get3A_3, %gather3A_256 : vector<16xi1>, vector<16xi32>
    %swap3A_263 = arith.constant 160 : index
    %swap3A_264 = tpu.vector_load %arg11[%swap3A_263] {strides = array<i32>} : memref<320xi32, #tpu.memory_space<vmem>>, vector<16xi32>,
    tpu.vector_store %arg11[%swap3A_263], %select_n3A_262 {strides = array<i32>} : memref<320xi32, #tpu.memory_space<vmem>>, vector<16xi32>,
    %get3A_265 = arith.constant 176 : index
    %get3A_266 = tpu.vector_load %arg8[%get3A_265] {strides = array<i32>} : memref<320xi32, #tpu.memory_space<vmem>>, vector<16xi32>,
    %add3A_267 = arith.constant 16 : i32
    %add3A_268 = vector.broadcast %add3A_267 : i32 to vector<16xi32>
    %add3A_269 = arith.addi %add3A_268, %iota3A : vector<16xi32>
    %gather3A_270 = tpu.vector_load_idx %arg7[%add3A_269, %get3A_266] : memref<80x256xi32, #tpu.memory_space<vmem>>[vector<16xi32>, vector<16xi32>], vector<16xi32>,
    %get3A_271 = arith.constant 176 : index
    %get3A_272 = tpu.vector_load %arg9[%get3A_271] {strides = array<i32>} : memref<320xi32, #tpu.memory_space<vmem>>, vector<16xi32>,
    %eq3A_273 = arith.cmpi eq, %gather3A_270, %get3A_3 : vector<16xi32>
    %eq3A_274 = arith.cmpi eq, %gather3A_270, %get3A_272 : vector<16xi32>
    %or3A_275 = arith.ori %eq3A_273, %eq3A_274 : vector<16xi1>
    %select_n3A_276 = arith.select %or3A_275, %get3A_3, %gather3A_270 : vector<16xi1>, vector<16xi32>
    %swap3A_277 = arith.constant 176 : index
    %swap3A_278 = tpu.vector_load %arg11[%swap3A_277] {strides = array<i32>} : memref<320xi32, #tpu.memory_space<vmem>>, vector<16xi32>,
    tpu.vector_store %arg11[%swap3A_277], %select_n3A_276 {strides = array<i32>} : memref<320xi32, #tpu.memory_space<vmem>>, vector<16xi32>,
    %get3A_279 = arith.constant 192 : index
    %get3A_280 = tpu.vector_load %arg8[%get3A_279] {strides = array<i32>} : memref<320xi32, #tpu.memory_space<vmem>>, vector<16xi32>,
    %add3A_281 = arith.constant 32 : i32
    %add3A_282 = vector.broadcast %add3A_281 : i32 to vector<16xi32>
    %add3A_283 = arith.addi %add3A_282, %iota3A : vector<16xi32>
    %gather3A_284 = tpu.vector_load_idx %arg7[%add3A_283, %get3A_280] : memref<80x256xi32, #tpu.memory_space<vmem>>[vector<16xi32>, vector<16xi32>], vector<16xi32>,
    %get3A_285 = arith.constant 192 : index
    %get3A_286 = tpu.vector_load %arg9[%get3A_285] {strides = array<i32>} : memref<320xi32, #tpu.memory_space<vmem>>, vector<16xi32>,
    %eq3A_287 = arith.cmpi eq, %gather3A_284, %get3A_3 : vector<16xi32>
    %eq3A_288 = arith.cmpi eq, %gather3A_284, %get3A_286 : vector<16xi32>
    %or3A_289 = arith.ori %eq3A_287, %eq3A_288 : vector<16xi1>
    %select_n3A_290 = arith.select %or3A_289, %get3A_3, %gather3A_284 : vector<16xi1>, vector<16xi32>
    %swap3A_291 = arith.constant 192 : index
    %swap3A_292 = tpu.vector_load %arg11[%swap3A_291] {strides = array<i32>} : memref<320xi32, #tpu.memory_space<vmem>>, vector<16xi32>,
    tpu.vector_store %arg11[%swap3A_291], %select_n3A_290 {strides = array<i32>} : memref<320xi32, #tpu.memory_space<vmem>>, vector<16xi32>,
    %get3A_293 = arith.constant 208 : index
    %get3A_294 = tpu.vector_load %arg8[%get3A_293] {strides = array<i32>} : memref<320xi32, #tpu.memory_space<vmem>>, vector<16xi32>,
    %add3A_295 = arith.constant 48 : i32
    %add3A_296 = vector.broadcast %add3A_295 : i32 to vector<16xi32>
    %add3A_297 = arith.addi %add3A_296, %iota3A : vector<16xi32>
    %gather3A_298 = tpu.vector_load_idx %arg7[%add3A_297, %get3A_294] : memref<80x256xi32, #tpu.memory_space<vmem>>[vector<16xi32>, vector<16xi32>], vector<16xi32>,
    %get3A_299 = arith.constant 208 : index
    %get3A_300 = tpu.vector_load %arg9[%get3A_299] {strides = array<i32>} : memref<320xi32, #tpu.memory_space<vmem>>, vector<16xi32>,
    %eq3A_301 = arith.cmpi eq, %gather3A_298, %get3A_3 : vector<16xi32>
    %eq3A_302 = arith.cmpi eq, %gather3A_298, %get3A_300 : vector<16xi32>
    %or3A_303 = arith.ori %eq3A_301, %eq3A_302 : vector<16xi1>
    %select_n3A_304 = arith.select %or3A_303, %get3A_3, %gather3A_298 : vector<16xi1>, vector<16xi32>
    %swap3A_305 = arith.constant 208 : index
    %swap3A_306 = tpu.vector_load %arg11[%swap3A_305] {strides = array<i32>} : memref<320xi32, #tpu.memory_space<vmem>>, vector<16xi32>,
    tpu.vector_store %arg11[%swap3A_305], %select_n3A_304 {strides = array<i32>} : memref<320xi32, #tpu.memory_space<vmem>>, vector<16xi32>,
    %get3A_307 = arith.constant 224 : index
    %get3A_308 = tpu.vector_load %arg8[%get3A_307] {strides = array<i32>} : memref<320xi32, #tpu.memory_space<vmem>>, vector<16xi32>,
    %add3A_309 = arith.constant 64 : i32
    %add3A_310 = vector.broadcast %add3A_309 : i32 to vector<16xi32>
    %add3A_311 = arith.addi %add3A_310, %iota3A : vector<16xi32>
    %gather3A_312 = tpu.vector_load_idx %arg7[%add3A_311, %get3A_308] : memref<80x256xi32, #tpu.memory_space<vmem>>[vector<16xi32>, vector<16xi32>], vector<16xi32>,
    %get3A_313 = arith.constant 224 : index
    %get3A_314 = tpu.vector_load %arg9[%get3A_313] {strides = array<i32>} : memref<320xi32, #tpu.memory_space<vmem>>, vector<16xi32>,
    %eq3A_315 = arith.cmpi eq, %gather3A_312, %get3A_3 : vector<16xi32>
    %eq3A_316 = arith.cmpi eq, %gather3A_312, %get3A_314 : vector<16xi32>
    %or3A_317 = arith.ori %eq3A_315, %eq3A_316 : vector<16xi1>
    %select_n3A_318 = arith.select %or3A_317, %get3A_3, %gather3A_312 : vector<16xi1>, vector<16xi32>
    %swap3A_319 = arith.constant 224 : index
    %swap3A_320 = tpu.vector_load %arg11[%swap3A_319] {strides = array<i32>} : memref<320xi32, #tpu.memory_space<vmem>>, vector<16xi32>,
    tpu.vector_store %arg11[%swap3A_319], %select_n3A_318 {strides = array<i32>} : memref<320xi32, #tpu.memory_space<vmem>>, vector<16xi32>,
    %add3A_321 = arith.constant 240 : i32
    %add3A_322 = arith.addi %mul3A_2, %add3A_321 : i32
    %add3A_323 = arith.constant 0 : i32
    %add3A_324 = arith.addi %add3A_322, %add3A_323 : i32
    %add3A_325 = vector.broadcast %add3A_324 : i32 to vector<16xi32>
    %add3A_326 = arith.addi %add3A_325, %iota3A : vector<16xi32>
    %swap3A_327 = arith.constant 0 : index
    %swap3A_328 = tpu.vector_load %arg10[%swap3A_327] {strides = array<i32>} : memref<80xi32, #tpu.memory_space<vmem>>, vector<16xi32>,
    tpu.vector_store %arg10[%swap3A_327], %add3A_326 {strides = array<i32>} : memref<80xi32, #tpu.memory_space<vmem>>, vector<16xi32>,
    %add3A_329 = arith.constant 16 : i32
    %add3A_330 = arith.addi %add3A_322, %add3A_329 : i32
    %add3A_331 = vector.broadcast %add3A_330 : i32 to vector<16xi32>
    %add3A_332 = arith.addi %add3A_331, %iota3A : vector<16xi32>
    %swap3A_333 = arith.constant 16 : index
    %swap3A_334 = tpu.vector_load %arg10[%swap3A_333] {strides = array<i32>} : memref<80xi32, #tpu.memory_space<vmem>>, vector<16xi32>,
    tpu.vector_store %arg10[%swap3A_333], %add3A_332 {strides = array<i32>} : memref<80xi32, #tpu.memory_space<vmem>>, vector<16xi32>,
    %add3A_335 = arith.constant 32 : i32
    %add3A_336 = arith.addi %add3A_322, %add3A_335 : i32
    %add3A_337 = vector.broadcast %add3A_336 : i32 to vector<16xi32>
    %add3A_338 = arith.addi %add3A_337, %iota3A : vector<16xi32>
    %swap3A_339 = arith.constant 32 : index
    %swap3A_340 = tpu.vector_load %arg10[%swap3A_339] {strides = array<i32>} : memref<80xi32, #tpu.memory_space<vmem>>, vector<16xi32>,
    tpu.vector_store %arg10[%swap3A_339], %add3A_338 {strides = array<i32>} : memref<80xi32, #tpu.memory_space<vmem>>, vector<16xi32>,
    %add3A_341 = arith.constant 48 : i32
    %add3A_342 = arith.addi %add3A_322, %add3A_341 : i32
    %add3A_343 = vector.broadcast %add3A_342 : i32 to vector<16xi32>
    %add3A_344 = arith.addi %add3A_343, %iota3A : vector<16xi32>
    %swap3A_345 = arith.constant 48 : index
    %swap3A_346 = tpu.vector_load %arg10[%swap3A_345] {strides = array<i32>} : memref<80xi32, #tpu.memory_space<vmem>>, vector<16xi32>,
    tpu.vector_store %arg10[%swap3A_345], %add3A_344 {strides = array<i32>} : memref<80xi32, #tpu.memory_space<vmem>>, vector<16xi32>,
    %add3A_347 = arith.constant 64 : i32
    %add3A_348 = arith.addi %add3A_322, %add3A_347 : i32
    %add3A_349 = vector.broadcast %add3A_348 : i32 to vector<16xi32>
    %add3A_350 = arith.addi %add3A_349, %iota3A : vector<16xi32>
    %swap3A_351 = arith.constant 64 : index
    %swap3A_352 = tpu.vector_load %arg10[%swap3A_351] {strides = array<i32>} : memref<80xi32, #tpu.memory_space<vmem>>, vector<16xi32>,
    tpu.vector_store %arg10[%swap3A_351], %add3A_350 {strides = array<i32>} : memref<80xi32, #tpu.memory_space<vmem>>, vector<16xi32>,
    %dma_start3A_353 = arith.constant 0 : i32
    %dma_start3A_354 = arith.constant 0 : i32
    %dma_start3A_355 = tpu.memref_slice %arg2[%dma_start3A_353, %dma_start3A_354] : memref<10240x256xi32, #tpu.memory_space<hbm>> -> memref<10240x256xi32, #tpu.memory_space<hbm>>
    tpu.enqueue_indirect_dma source(%dma_start3A_355 : memref<10240x256xi32, #tpu.memory_space<hbm>>) target(%arg7 : memref<80x256xi32, #tpu.memory_space<vmem>>) offsets(%arg10 : memref<80xi32, #tpu.memory_space<vmem>>) semaphore(%arg13 : memref<!tpu.dma_semaphore, #tpu.memory_space<semaphore_mem>>)
    %dma_wait3A_356 = arith.constant 0 : i32
    %dma_wait3A_357 = arith.constant 0 : i32
    %dma_wait3A_358 = tpu.memref_slice %arg2[%dma_wait3A_356, %dma_wait3A_357] : memref<10240x256xi32, #tpu.memory_space<hbm>> -> memref<10240x256xi32, #tpu.memory_space<hbm>>
    tpu.wait_indirect_dma semaphore(%arg13 : memref<!tpu.dma_semaphore, #tpu.memory_space<semaphore_mem>>) src(%dma_wait3A_358 : memref<10240x256xi32, #tpu.memory_space<hbm>>) dst(%arg7 : memref<80x256xi32, #tpu.memory_space<vmem>>)
    %get3A_359 = arith.constant 240 : index
    %get3A_360 = tpu.vector_load %arg8[%get3A_359] {strides = array<i32>} : memref<320xi32, #tpu.memory_space<vmem>>, vector<16xi32>,
    %add3A_361 = arith.constant 0 : i32
    %add3A_362 = vector.broadcast %add3A_361 : i32 to vector<16xi32>
    %add3A_363 = arith.addi %add3A_362, %iota3A : vector<16xi32>
    %gather3A_364 = tpu.vector_load_idx %arg7[%add3A_363, %get3A_360] : memref<80x256xi32, #tpu.memory_space<vmem>>[vector<16xi32>, vector<16xi32>], vector<16xi32>,
    %get3A_365 = arith.constant 240 : index
    %get3A_366 = tpu.vector_load %arg9[%get3A_365] {strides = array<i32>} : memref<320xi32, #tpu.memory_space<vmem>>, vector<16xi32>,
    %eq3A_367 = arith.cmpi eq, %gather3A_364, %get3A_3 : vector<16xi32>
    %eq3A_368 = arith.cmpi eq, %gather3A_364, %get3A_366 : vector<16xi32>
    %or3A_369 = arith.ori %eq3A_367, %eq3A_368 : vector<16xi1>
    %select_n3A_370 = arith.select %or3A_369, %get3A_3, %gather3A_364 : vector<16xi1>, vector<16xi32>
    %swap3A_371 = arith.constant 240 : index
    %swap3A_372 = tpu.vector_load %arg11[%swap3A_371] {strides = array<i32>} : memref<320xi32, #tpu.memory_space<vmem>>, vector<16xi32>,
    tpu.vector_store %arg11[%swap3A_371], %select_n3A_370 {strides = array<i32>} : memref<320xi32, #tpu.memory_space<vmem>>, vector<16xi32>,
    %get3A_373 = arith.constant 256 : index
    %get3A_374 = tpu.vector_load %arg8[%get3A_373] {strides = array<i32>} : memref<320xi32, #tpu.memory_space<vmem>>, vector<16xi32>,
    %add3A_375 = arith.constant 16 : i32
    %add3A_376 = vector.broadcast %add3A_375 : i32 to vector<16xi32>
    %add3A_377 = arith.addi %add3A_376, %iota3A : vector<16xi32>
    %gather3A_378 = tpu.vector_load_idx %arg7[%add3A_377, %get3A_374] : memref<80x256xi32, #tpu.memory_space<vmem>>[vector<16xi32>, vector<16xi32>], vector<16xi32>,
    %get3A_379 = arith.constant 256 : index
    %get3A_380 = tpu.vector_load %arg9[%get3A_379] {strides = array<i32>} : memref<320xi32, #tpu.memory_space<vmem>>, vector<16xi32>,
    %eq3A_381 = arith.cmpi eq, %gather3A_378, %get3A_3 : vector<16xi32>
    %eq3A_382 = arith.cmpi eq, %gather3A_378, %get3A_380 : vector<16xi32>
    %or3A_383 = arith.ori %eq3A_381, %eq3A_382 : vector<16xi1>
    %select_n3A_384 = arith.select %or3A_383, %get3A_3, %gather3A_378 : vector<16xi1>, vector<16xi32>
    %swap3A_385 = arith.constant 256 : index
    %swap3A_386 = tpu.vector_load %arg11[%swap3A_385] {strides = array<i32>} : memref<320xi32, #tpu.memory_space<vmem>>, vector<16xi32>,
    tpu.vector_store %arg11[%swap3A_385], %select_n3A_384 {strides = array<i32>} : memref<320xi32, #tpu.memory_space<vmem>>, vector<16xi32>,
    %get3A_387 = arith.constant 272 : index
    %get3A_388 = tpu.vector_load %arg8[%get3A_387] {strides = array<i32>} : memref<320xi32, #tpu.memory_space<vmem>>, vector<16xi32>,
    %add3A_389 = arith.constant 32 : i32
    %add3A_390 = vector.broadcast %add3A_389 : i32 to vector<16xi32>
    %add3A_391 = arith.addi %add3A_390, %iota3A : vector<16xi32>
    %gather3A_392 = tpu.vector_load_idx %arg7[%add3A_391, %get3A_388] : memref<80x256xi32, #tpu.memory_space<vmem>>[vector<16xi32>, vector<16xi32>], vector<16xi32>,
    %get3A_393 = arith.constant 272 : index
    %get3A_394 = tpu.vector_load %arg9[%get3A_393] {strides = array<i32>} : memref<320xi32, #tpu.memory_space<vmem>>, vector<16xi32>,
    %eq3A_395 = arith.cmpi eq, %gather3A_392, %get3A_3 : vector<16xi32>
    %eq3A_396 = arith.cmpi eq, %gather3A_392, %get3A_394 : vector<16xi32>
    %or3A_397 = arith.ori %eq3A_395, %eq3A_396 : vector<16xi1>
    %select_n3A_398 = arith.select %or3A_397, %get3A_3, %gather3A_392 : vector<16xi1>, vector<16xi32>
    %swap3A_399 = arith.constant 272 : index
    %swap3A_400 = tpu.vector_load %arg11[%swap3A_399] {strides = array<i32>} : memref<320xi32, #tpu.memory_space<vmem>>, vector<16xi32>,
    tpu.vector_store %arg11[%swap3A_399], %select_n3A_398 {strides = array<i32>} : memref<320xi32, #tpu.memory_space<vmem>>, vector<16xi32>,
    %get3A_401 = arith.constant 288 : index
    %get3A_402 = tpu.vector_load %arg8[%get3A_401] {strides = array<i32>} : memref<320xi32, #tpu.memory_space<vmem>>, vector<16xi32>,
    %add3A_403 = arith.constant 48 : i32
    %add3A_404 = vector.broadcast %add3A_403 : i32 to vector<16xi32>
    %add3A_405 = arith.addi %add3A_404, %iota3A : vector<16xi32>
    %gather3A_406 = tpu.vector_load_idx %arg7[%add3A_405, %get3A_402] : memref<80x256xi32, #tpu.memory_space<vmem>>[vector<16xi32>, vector<16xi32>], vector<16xi32>,
    %get3A_407 = arith.constant 288 : index
    %get3A_408 = tpu.vector_load %arg9[%get3A_407] {strides = array<i32>} : memref<320xi32, #tpu.memory_space<vmem>>, vector<16xi32>,
    %eq3A_409 = arith.cmpi eq, %gather3A_406, %get3A_3 : vector<16xi32>
    %eq3A_410 = arith.cmpi eq, %gather3A_406, %get3A_408 : vector<16xi32>
    %or3A_411 = arith.ori %eq3A_409, %eq3A_410 : vector<16xi1>
    %select_n3A_412 = arith.select %or3A_411, %get3A_3, %gather3A_406 : vector<16xi1>, vector<16xi32>
    %swap3A_413 = arith.constant 288 : index
    %swap3A_414 = tpu.vector_load %arg11[%swap3A_413] {strides = array<i32>} : memref<320xi32, #tpu.memory_space<vmem>>, vector<16xi32>,
    tpu.vector_store %arg11[%swap3A_413], %select_n3A_412 {strides = array<i32>} : memref<320xi32, #tpu.memory_space<vmem>>, vector<16xi32>,
    %get3A_415 = arith.constant 304 : index
    %get3A_416 = tpu.vector_load %arg8[%get3A_415] {strides = array<i32>} : memref<320xi32, #tpu.memory_space<vmem>>, vector<16xi32>,
    %add3A_417 = arith.constant 64 : i32
    %add3A_418 = vector.broadcast %add3A_417 : i32 to vector<16xi32>
    %add3A_419 = arith.addi %add3A_418, %iota3A : vector<16xi32>
    %gather3A_420 = tpu.vector_load_idx %arg7[%add3A_419, %get3A_416] : memref<80x256xi32, #tpu.memory_space<vmem>>[vector<16xi32>, vector<16xi32>], vector<16xi32>,
    %get3A_421 = arith.constant 304 : index
    %get3A_422 = tpu.vector_load %arg9[%get3A_421] {strides = array<i32>} : memref<320xi32, #tpu.memory_space<vmem>>, vector<16xi32>,
    %eq3A_423 = arith.cmpi eq, %gather3A_420, %get3A_3 : vector<16xi32>
    %eq3A_424 = arith.cmpi eq, %gather3A_420, %get3A_422 : vector<16xi32>
    %or3A_425 = arith.ori %eq3A_423, %eq3A_424 : vector<16xi1>
    %select_n3A_426 = arith.select %or3A_425, %get3A_3, %gather3A_420 : vector<16xi1>, vector<16xi32>
    %swap3A_427 = arith.constant 304 : index
    %swap3A_428 = tpu.vector_load %arg11[%swap3A_427] {strides = array<i32>} : memref<320xi32, #tpu.memory_space<vmem>>, vector<16xi32>,
    tpu.vector_store %arg11[%swap3A_427], %select_n3A_426 {strides = array<i32>} : memref<320xi32, #tpu.memory_space<vmem>>, vector<16xi32>,
    "tpu.region"() ({
      %run_scoped3A = tpu.sem_alloc : memref<!tpu.dma_semaphore, #tpu.memory_space<semaphore_mem>>
      %dma_start3A_429 = tpu.memref_slice %arg6[%mul3A_2] : memref<10240xi32, #tpu.memory_space<hbm>> -> memref<320xi32, #tpu.memory_space<hbm>>
      %dma_start3A_430 = tpu.memref_slice %arg6[%mul3A_2] : memref<10240xi32, #tpu.memory_space<hbm>> -> memref<320xi32, #tpu.memory_space<hbm>>
      tpu.enqueue_dma source(%arg11 : memref<320xi32, #tpu.memory_space<vmem>>) target(%dma_start3A_430 : memref<320xi32, #tpu.memory_space<hbm>>) target_semaphore(%run_scoped3A : memref<!tpu.dma_semaphore, #tpu.memory_space<semaphore_mem>>)
      %dma_wait3A_431 = tpu.memref_slice %arg6[%mul3A_2] : memref<10240xi32, #tpu.memory_space<hbm>> -> memref<320xi32, #tpu.memory_space<hbm>>
      %dma_wait3A_432 = tpu.memref_slice %arg6[%mul3A_2] : memref<10240xi32, #tpu.memory_space<hbm>> -> memref<320xi32, #tpu.memory_space<hbm>>
      tpu.wait_dma2 semaphore(%run_scoped3A : memref<!tpu.dma_semaphore, #tpu.memory_space<semaphore_mem>>) src(%arg11 : memref<320xi32, #tpu.memory_space<vmem>>) dst(%dma_wait3A_432 : memref<320xi32, #tpu.memory_space<hbm>>)
      tpu.yield
    }) : () -> ()
    return
  }
}

module attributes {stable_mosaic.version = 14 : i64} {
  func.func @_tc_body(%arg0: i32, %arg1: memref<1024x2x256xi32, #tpu.memory_space<vmem>>, %arg2: memref<1024x1xi32, #tpu.memory_space<vmem>>, %arg3: memref<1x1xi32, #tpu.memory_space<vmem>>, %arg4: memref<1024x256xi32, #tpu.memory_space<vmem>>, %arg5: memref<1024x256xi32, #tpu.memory_space<vmem>>) attributes {dimension_semantics = [#tpu.dimension_semantics<arbitrary>], iteration_bounds = array<i64: 10>, scalar_prefetch = 0 : i64, scratch_operands = 0 : i64, tpu.core_type = #tpu.core_type<tc>, window_params = [{transform_indices = @transform_0, window_bounds = array<i64: 1024, 2, 256>}, {transform_indices = @transform_1, window_bounds = array<i64: 1024, 1>}, {transform_indices = @transform_2, window_bounds = array<i64: 1, 1>}, {transform_indices = @transform_3, window_bounds = array<i64: 1024, 256>}, {transform_indices = @transform_4, window_bounds = array<i64: 1024, 256>}]} {
    %get3A = arith.constant 0 : index
    %get3A_0 = arith.constant 0 : index
    %get3A_1 = arith.constant 0 : index
    %get3A_2 = vector.load %arg1[%get3A, %get3A_0, %get3A_1] : memref<1024x2x256xi32, #tpu.memory_space<vmem>>, vector<1024x1x256xi32>
    %get3A_3 = vector.shape_cast %get3A_2 : vector<1024x1x256xi32> to vector<1024x256xi32>
    %get3A_4 = arith.constant 0 : index
    %get3A_5 = arith.constant 0 : index
    %get3A_6 = vector.load %arg2[%get3A_4, %get3A_5] : memref<1024x1xi32, #tpu.memory_space<vmem>>, vector<1024x1xi32>
    %get3A_7 = arith.constant 0 : index
    %get3A_8 = arith.constant 0 : index
    %get3A_9 = vector.load %arg3[%get3A_7, %get3A_8] : memref<1x1xi32, #tpu.memory_space<vmem>>, vector<1x1xi32>
    %get3A_10 = vector.extract %get3A_9[0, 0] : i32 from vector<1x1xi32>
    %get3A_11 = arith.constant 0 : index
    %get3A_12 = arith.constant 1 : index
    %get3A_13 = arith.constant 0 : index
    %get3A_14 = vector.load %arg1[%get3A_11, %get3A_12, %get3A_13] : memref<1024x2x256xi32, #tpu.memory_space<vmem>>, vector<1024x1x256xi32>
    %get3A_15 = vector.shape_cast %get3A_14 : vector<1024x1x256xi32> to vector<1024x256xi32>
    %swap3A = arith.constant 0 : index
    %swap3A_16 = arith.constant 0 : index
    %swap3A_17 = vector.load %arg4[%swap3A, %swap3A_16] : memref<1024x256xi32, #tpu.memory_space<vmem>>, vector<1024x256xi32>
    tpu.vector_store %arg4[%swap3A, %swap3A_16], %get3A_15 {strides = array<i32>} : memref<1024x256xi32, #tpu.memory_space<vmem>>, vector<1024x256xi32>,
    %eq3A = vector.broadcast %get3A_6 : vector<1024x1xi32> to vector<1024x256xi32>
    %eq3A_18 = arith.cmpi eq, %get3A_3, %eq3A : vector<1024x256xi32>
    %broadcast_in_dim3A = vector.broadcast %get3A_10 : i32 to vector<1024x256xi32>
    %select_n3A = arith.select %eq3A_18, %broadcast_in_dim3A, %get3A_3 : vector<1024x256xi1>, vector<1024x256xi32>
    %swap3A_19 = arith.constant 0 : index
    %swap3A_20 = arith.constant 0 : index
    %swap3A_21 = vector.load %arg5[%swap3A_19, %swap3A_20] : memref<1024x256xi32, #tpu.memory_space<vmem>>, vector<1024x256xi32>
    tpu.vector_store %arg5[%swap3A_19, %swap3A_20], %select_n3A {strides = array<i32>} : memref<1024x256xi32, #tpu.memory_space<vmem>>, vector<1024x256xi32>,
    return
  }
  func.func @transform_0(%arg0: i32) -> (i32, i32, i32) {
    %mul3A = arith.constant 0 : i32
    %mul3A_0 = arith.muli %arg0, %mul3A : i32
    %mul3A_1 = arith.constant 0 : i32
    %mul3A_2 = arith.muli %arg0, %mul3A_1 : i32
    %c0_i32 = arith.constant 0 : i32
    return %arg0, %mul3A_0, %mul3A_2 : i32, i32, i32
  }
  func.func @transform_1(%arg0: i32) -> (i32, i32) {
    %mul3A = arith.constant 0 : i32
    %mul3A_0 = arith.muli %arg0, %mul3A : i32
    %c0_i32 = arith.constant 0 : i32
    return %arg0, %mul3A_0 : i32, i32
  }
  func.func @transform_2(%arg0: i32) -> (i32, i32) {
    %mul3A = arith.constant 0 : i32
    %mul3A_0 = arith.muli %arg0, %mul3A : i32
    %mul3A_1 = arith.constant 0 : i32
    %mul3A_2 = arith.muli %arg0, %mul3A_1 : i32
    %c0_i32 = arith.constant 0 : i32
    return %mul3A_0, %mul3A_2 : i32, i32
  }
  func.func @transform_3(%arg0: i32) -> (i32, i32) {
    %mul3A = arith.constant 0 : i32
    %mul3A_0 = arith.muli %arg0, %mul3A : i32
    %c0_i32 = arith.constant 0 : i32
    return %arg0, %mul3A_0 : i32, i32
  }
  func.func @transform_4(%arg0: i32) -> (i32, i32) {
    %mul3A = arith.constant 0 : i32
    %mul3A_0 = arith.muli %arg0, %mul3A : i32
    %c0_i32 = arith.constant 0 : i32
    return %arg0, %mul3A_0 : i32, i32
  }
}

</mosaic_0001>

<sc_bundles>
// kernel: kernel.4.cloned.1.call-start
scs
__scs_entry_jumppad:
0x0: {  	(pc) =	sbr.rel $0x88, $3  }
0x1: {  	(tag) =	ssettag $0x0;
	lr =	simm.s32 $0x1  }
0x2: {  	[smem:$0x3F9C] =	sst lr;
	_ =	strace $0xD0000000  }
0x3: {  	_ = 	snop  }
0x4: {  	_ = 	snop  }
0x5: {  	_ = 	snop  }
0x6: {  	_ = 	snop  }
0x7: {  	_ = 	snop  }
__scs_overlays_trampoline_lowered:
0x8: {  	[smem:$0x3FAB] =	sst s0  }
0x9: {  	[smem:$0x3FAC] =	sst s1  }
0xa: {  	[smem:$0x3FAD] =	sst s2  }
0xb: {  	[smem:$0x3FAE] =	sst s3  }
0xc: {  	[smem:$0x3FAF] =	sst s4  }
0xd: {  	[smem:$0x3FB0] =	sst s5  }
0xe: {  	[smem:$0x3FB1] =	sst s6  }
0xf: {  	[smem:$0x3FB2] =	sst s7  }
0x10: {  	[smem:$0x3FB3] =	sst s8  }
0x11: {  	[smem:$0x3FB4] =	sst s9;
	s0 =	simm.s32 @!p0 $0x0  }
0x12: {  	s1 =	sld [smem:$0x3F9A];
	s0 =	simm.s32 @p0 $0x1  }
0x13: {  	[smem:$0x3FB5] =	sst s0;
	s0 =	simm.s32 @!p1 $0x0  }
0x14: {  	s2 =	sld [smem:$0x3F99];
	s0 =	simm.s32 @p1 $0x1  }
0x15: {  	[smem:$0x3FB6] =	sst s0;
	s0 =	simm.s32 @!p2 $0x0  }
0x16: {  	s3 =	sld [smem:$0x3FDB];
	s0 =	simm.s32 @p2 $0x1  }
0x17: {  	s4 =	simm.s32 $0x1BF5;
	[smem:$0x3FB8] =	sst s0  }
0x18: {  	s0 =	sld [smem:$0x3F9B];
	_ =	swait.ge [sflag:s4], $0x0  }
0x19: {  	s7 =	sld [smem:$0x3F9C]  }
0x1a: {  	s8 =	sadd.s32 $0xFFFFE003, lr  }
0x1b: {  	s9 =	sadd.s32 $0xFFFFFEF7, lr;
	s5 =	simm.s32 $0xFFFFFFFF;
	p2 =	slt.u32 s8, $0xFFFFF086  }
0x1c: {  	p1 =	slt.u32 s9, $0xF7A;
	s5 =	simm.s32 @!p2 $0x0  }
0x1d: {  	s5 =	simm.s32 @p1 $0x1;
	p0 =	seq.s32 s7, s2  }
0x1e: {  	s7 =	smul.u32 @!p0 $0xF7A, s2;
	p2 =	seq.s32 @!p0 s5, $0x0  }
0x1f: {  	s9 =	smul.u32 $0xF7A, s1;
	s8 =	simm.s32 @!p0 $0x1BF5;
	p2 =	por !p2, p0  }
0x20: {  	[sflag:s8] =	ssyncset.s32 @!p0 $0xFFFFF086;
	s6 =	sadd.s32 @!p0 s3, s7;
	s7 =	simm.s32 @!p0 $0x108  }
0x21: {  	s3 =	sadd.s32 s3, s9;
	s6 =	sadd.s32 @!p0 $0x88, s6;
	s7 =	simm.s32 @p2 $0x1082  }
0x22: {  	[simem:s7], [sflag:s8] =	dma.local @!p0 [hbm:s6], $0xF7A  }
0x23: {  	s9 =	sor.u32 $0xD0000000, s2;
	s6 =	simm.s32 $0x108;
	_ =	swait.ge @!p0 [sflag:s8], $0x0  }
0x24: {  	s3 =	sadd.s32 $0x88, s3;
	s6 =	simm.s32 @!p1 $0x1082;
	[sflag:s4] =	ssyncset.s32 $0xFFFFF086  }
0x25: {  	[simem:s6], [sflag:s4] =	dma.local [hbm:s3], $0xF7A  }
0x26: {  	[smem:$0x3F9C] =	sst s1;
	(tag) =	ssettag s2;
	_ =	strace s9  }
0x27: {  	s1 =	sld [smem:$0x3FAC]  }
0x28: {  	s2 =	sld [smem:$0x3FAD]  }
0x29: {  	s4 =	sld [smem:$0x3FAF]  }
0x2a: {  	p0 =	seq.s32 s5, $0x0;
	s5 =	sld [smem:$0x3FB0]  }
0x2b: {  	s6 =	sld [smem:$0x3FB1]  }
0x2c: {  	s7 =	sld [smem:$0x3FB2]  }
0x2d: {  	s3 =	simm.s32 $0x108;
	s8 =	sld [smem:$0x3FB3]  }
0x2e: {  	s3 =	simm.s32 @!p0 $0x1082;
	s9 =	sld [smem:$0x3FB4]  }
0x2f: {  	lr =	sadd.s32 s0, s3;
	s0 =	sld [smem:$0x3FAB]  }
0x30: {  	s3 =	sld [smem:$0x3FAE]  }
0x31: {  	[smem:$0x3FB7] =	sst s10  }
0x32: {  	s10 =	sld [smem:$0x3FB5];
	_ =	sdelay $0x3  }
0x33: {  	p0 =	seq.s32 s10, $0x1;
	s10 =	sld [smem:$0x3FB7];
	_ =	sdelay $0x3  }
0x34: {  	[smem:$0x3FB7] =	sst s10  }
0x35: {  	s10 =	sld [smem:$0x3FB6];
	_ =	sdelay $0x3  }
0x36: {  	p1 =	seq.s32 s10, $0x1;
	s10 =	sld [smem:$0x3FB7];
	_ =	sdelay $0x3  }
0x37: {  	[smem:$0x3FB7] =	sst s10  }
0x38: {  	s10 =	sld [smem:$0x3FB8]  }
0x39: {  	_ = 	snop;
	(pc) =	sbr.ind lr, $3  }
0x3a: {  	_ = 	snop  }
0x3b: {  	_ = 	snop  }
0x3c: {  	p2 =	seq.s32 s10, $0x1;
	s10 =	sld [smem:$0x3FB7]  }
0x3d: {  	_ =	shalt  }
0x3e: {  	_ =	shalt  }
0x3f: {  	_ =	shalt  }
0x40: {  	_ =	shalt  }
0x41: {  	_ =	shalt  }
0x42: {  	_ =	shalt  }
0x43: {  	_ =	shalt  }
0x44: {  	_ =	shalt  }
0x45: {  	_ =	shalt  }
0x46: {  	_ =	shalt  }
0x47: {  	_ =	shalt  }
0x48: {  	_ =	shalt  }
0x49: {  	_ =	shalt  }
0x4a: {  	_ =	shalt  }
0x4b: {  	_ =	shalt  }
0x4c: {  	_ =	shalt  }
0x4d: {  	_ =	shalt  }
0x4e: {  	_ =	shalt  }
0x4f: {  	_ =	shalt  }
0x50: {  	_ =	shalt  }
0x51: {  	_ =	shalt  }
0x52: {  	_ =	shalt  }
0x53: {  	_ =	shalt  }
0x54: {  	_ =	shalt  }
0x55: {  	_ =	shalt  }
0x56: {  	_ =	shalt  }
0x57: {  	_ =	shalt  }
0x58: {  	_ =	shalt  }
0x59: {  	_ =	shalt  }
0x5a: {  	_ =	shalt  }
0x5b: {  	_ =	shalt  }
0x5c: {  	_ =	shalt  }
0x5d: {  	_ =	shalt  }
0x5e: {  	_ =	shalt  }
0x5f: {  	_ =	shalt  }
0x60: {  	_ =	shalt  }
0x61: {  	_ =	shalt  }
0x62: {  	_ =	shalt  }
0x63: {  	_ =	shalt  }
0x64: {  	_ =	shalt  }
0x65: {  	_ =	shalt  }
0x66: {  	_ =	shalt  }
0x67: {  	_ =	shalt  }
0x68: {  	_ =	shalt  }
0x69: {  	_ =	shalt  }
0x6a: {  	_ =	shalt  }
0x6b: {  	_ =	shalt  }
0x6c: {  	_ =	shalt  }
0x6d: {  	_ =	shalt  }
0x6e: {  	_ =	shalt  }
0x6f: {  	_ =	shalt  }
0x70: {  	_ =	shalt  }
0x71: {  	_ =	shalt  }
0x72: {  	_ =	shalt  }
0x73: {  	_ =	shalt  }
0x74: {  	_ =	shalt  }
0x75: {  	_ =	shalt  }
0x76: {  	_ =	shalt  }
0x77: {  	_ =	shalt  }
0x78: {  	_ =	shalt  }
0x79: {  	_ =	shalt  }
0x7a: {  	_ =	shalt  }
0x7b: {  	_ =	shalt  }
0x7c: {  	_ =	shalt  }
0x7d: {  	_ =	shalt  }
0x7e: {  	_ =	shalt  }
0x7f: {  	_ =	shalt  }
0x80: {  	_ =	shalt  }
0x81: {  	_ =	shalt  }
0x82: {  	_ =	shalt  }
0x83: {  	_ =	shalt  }
0x84: {  	_ =	shalt  }
0x85: {  	_ =	shalt  }
0x86: {  	_ =	shalt  }
0x87: {  	_ =	shalt  }
.Lfunc_end0:
.L_simem_size_0:
called_computation_lowered:
.L_overlay_start_0:
0x88: {  	s2 =	sld [smem:$0x3FD9]  }
0x89: {  	s3 =	sld [smem:$0x3FFE];
	_ =	sdelay $0x1  }
0x8a: {  	s1 =	srdreg.scid  }
0x8b: {  	s0 =	sand.u32 $0x1, s1  }
0x8c: {  	s14 =	sshll.u32 s0, $0xA;
	s2 =	sadd.s32 s3, s2  }
0x8d: {  	s2 =	sadd.s32 s2, s14  }
0x8e: {  	[smem:$0x3FC3] =	sst s2  }
0x8f: {  	_ = 	snop  }
0x90: {  	s2 =	sld [smem:$0x3FD0];
	_ =	sdelay $0x2  }
0x91: {  	s15 =	simm.s32 $0xA;
	s4 =	simm.s32 $0x10  }
0x92: {  	[smem:s4], [sflag:s15] =	dma.local [hbm:s2], $0x1  }
0x93: {  	_ =	swait.eq [sflag:s15], $0x1  }
0x94: {  	[sflag:s15] =	ssyncset.done $0x0  }
0x95: {  	[sflag:s15] =	ssyncadd.s32 $0xFFFFFFFF  }
0x96: {  	s16 =	sld [smem:$0x12];
	(tm) =	ssettm $0x1  }
0x97: {  	s17 =	sld [smem:$0x3FFB];
	_ =	sdelay $0x3  }
0x98: {  	_ =	strace s17  }
0x99: {  	s3 =	sld [smem:$0x3FFC];
	_ =	sdelay $0x3  }
0x9a: {  	_ =	strace s3  }
0x9b: {  	s3 =	sld [smem:$0x3FFD];
	_ =	sdelay $0x3  }
0x9c: {  	_ =	strace s3  }
0x9d: {  	_ =	strace $0x8FFFFFFF  }
0x9e: {  	s18 =	sld [smem:$0x3FDB];
	_ =	sdelay $0x1  }
0x9f: {  	s19 =	simm.s32 $_scs_section_size  }
0xa0: {  	s5 =	simm.s32 $_size__tile_overlayer_lowered;
	s6 =	simm.s32 $_tile_overlayer_lowered  }
0xa1: {  	s22 =	simm.s32 $0x1BFF;
	s21 =	sshll.u32 s6, $0x1;
	s3 =	sadd.s32 s19, s18  }
0xa2: {  	s7 =	simm.s32 $0x0;
	s20 =	sshll.u32 s5, $0x1;
	s5 =	sadd.s32 s21, s3  }
0xa3: {  	[timem:s7], [sflag:s22] =	dma.local [hbm:s5], s20  }
0xa4: {  	_ =	swait.ge [sflag:s22], s20  }
0xa5: {  	s4 =	ssub.s32 $0x0, s20;
	[sflag:s22] =	ssyncset.done $0x0  }
0xa6: {  	[sflag:s22] =	ssyncadd.s32 s4;
	_ =	sdelay $0x1  }
0xa7: {  	s23 =	simm.s32 $0x1B8B  }
0xa8: {  	_ =	swait.ge [sflag:s23], $0x1  }
0xa9: {  	[sflag:s23] =	ssyncset.done $0x0  }
0xaa: {  	s25 =	simm.s32 $0x1B8E;
	s24 =	sld [smem:$0x3FFE];
	[sflag:s23] =	ssyncadd.s32 $0xFFFFFFFF  }
0xab: {  	s26 =	simm.s32 $execute0_lowered;
	[smem:$0x3FD2] =	sst s25  }
0xac: {  	s5 =	sshll.u32 s26, $0x1;
	_ =	strace $0x80000046;
	[dreg:$0x1] =	wrdreg $0xFFFFFFFF  }
0xad: {  	s28 =	simm.s32 $_size_execute0_lowered;
	s3 =	sadd.s32 s3, s5;
	[dreg:$0x0] =	wrdreg $0x0  }
0xae: {  	s5 =	sshll.u32 s28, $0x1;
	[dreg:$0x2] =	wrdreg s3  }
0xaf: {  	[dreg:$0x3] =	wrdreg s5  }
0xb0: {  	[dreg:$0x4] =	wrdreg $0xC0  }
0xb1: {  	_ =	task [dreg:s7], $0x5FFFF  }
0xb2: {  	[dreg:$0x1] =	wrdreg $0xFFFFFFFF  }
0xb3: {  	[dreg:$0x0] =	wrdreg $0x60  }
0xb4: {  	[dreg:$0x2] =	wrdreg s24  }
0xb5: {  	[dreg:$0x3] =	wrdreg s16  }
0xb6: {  	[dreg:$0x4] =	wrdreg $0x9  }
0xb7: {  	_ =	task.clear_ibuf [dreg:s7], $0x5FFFF;
	_ =	strace $0x90000046  }
0xb8: {  	s29 =	simm.s32 $0x9;
	_ =	strace $0x80000048  }
0xb9: {  	_ =	swait.ge [sflag:s29], $0x1  }
0xba: {  	[sflag:s29] =	ssyncadd.s32 $0xFFFFFFFF  }
0xbb: {  	_ =	strace $0x90000048  }
0xbc: {  	_ =	sfence  }
0xbd: {  	s30 =	sld [smem:$0x0];
	_ =	sdelay $0x2  }
0xbe: {  	s31 =	sshll.u32 s1, $0xD;
	s1 =	sshrl.u32 s1, $0x2  }
0xbf: {  	s3 =	sand.u32 $0x4000, s31;
	s1 =	sadd.s32 s1, s30  }
0xc0: {  	s0 =	sor.u32 s3, s0;
	s1 =	sshll.u32 s1, $0x11  }
0xc1: {  	s0 =	sor.u32 s1, s0  }
0xc2: {  	s0 =	sadd.s32 $0x8F2B, s0  }
0xc3: {  	[sflag:s0] =	ssyncadd.remote.s32 $0x1  }
0xc4: {  	_ =	sfence.sel $0xFFFF  }
0xc5: {  	[dreg:$0x0] =	wrdreg $0xFFFFFFFF;
	(pc) =	sbr.abs _section_cstart, $3  }
0xc6: {  	[dreg:$0x1] =	wrdreg $0xFFFFFFFF  }
0xc7: {  	_ =	task.clear_ibuf [dreg:s7], $0x2FFFF;
	_ =	strace $0x9FFFFFFF  }
0xc8: {  	(tm) =	ssettm $0x7FFFFFFF  }
0xc9: {  	_ =	shalt  }
tec
execute0_lowered:
.L_overlay_start_1:
0x0: {  	(tag) =	ssettag $0x1  }
0x1: {  	v23 =	vlaneseq.u32;
	vm0 =	vmmov $0xffff  }
0x2: {  	vm13 =	vcmask $0x300;
	vm14 =	vcmask $0x704;
	vm15 =	vcmask $0xB08  }
0x3: {  	vm12 =	vcmask $0xF0C;
	v26 =	vimm.s32 $0x1B80;
	vm11 =	vcmask $0x1310  }
0x4: {  	vm10 =	vcmask $0x1714;
	vm9 =	vcmask $0x1B18;
	vm8 =	vcmask $0x1F1C  }
0x5: {  	vm7 =	vcmask $0x2320;
	vm6 =	vcmask $0x2724;
	vm5 =	vcmask $0x2B28  }
0x6: {  	vm4 =	vcmask $0x2F2C;
	vm3 =	vcmask $0x3330;
	vm2 =	vcmask $0x3734  }
0x7: {  	vm1 =	vcmask $0x3B38;
	v27 =	vimm.s32 $0x2B80;
	v28 =	vimm.s32 $0x3B80  }
0x8: {  	v32 =	vimm.s32 $0x4B80;
	v18 =	vshrl.u32 v23, $0x3;
	v26 =	vsel vm13, $0x1000, v26  }
0x9: {  	s0 =	srdreg.scid;
	v27 =	vsel vm13, $0x2000, v27;
	v28 =	vsel vm13, $0x3000, v28;
	v32 =	vsel vm13, $0x4000, v32  }
0xa: {  	s3 =	sand.u32 $0x1, s0;
	v18 =	vmul.u32 $0x8, v18;
	v26 =	vsel vm14, $0x1080, v26;
	v27 =	vsel vm14, $0x2080, v27  }
0xb: {  	s0 =	stileid.u32;
	s1 =	sshll.u32 s3, $0x4;
	v28 =	vsel vm14, $0x3080, v28;
	v32 =	vsel vm14, $0x4080, v32;
	v26 =	vsel vm15, $0x1100, v26  }
0xc: {  	s1 =	sor.u32 s0, s1;
	v27 =	vsel vm15, $0x2100, v27;
	v28 =	vsel vm15, $0x3100, v28;
	v32 =	vsel vm15, $0x4100, v32  }
0xd: {  	s4 =	smul.u32 $0x140, s1;
	v26 =	vsel vm12, $0x1180, v26;
	v27 =	vsel vm12, $0x2180, v27;
	v28 =	vsel vm12, $0x3180, v28  }
0xe: {  	v32 =	vsel vm12, $0x4180, v32;
	v26 =	vsel vm11, $0x1200, v26;
	v27 =	vsel vm11, $0x2200, v27  }
0xf: {  	v28 =	vsel vm11, $0x3200, v28;
	v32 =	vsel vm11, $0x4200, v32;
	v0 =	vor.u32 s4, v23  }
0x10: {  	s1 =	sor.u32 $0x10, s4;
	s2 =	sor.u32 $0x20, s4;
	v26 =	vsel vm10, $0x1280, v26;
	v27 =	vsel vm10, $0x2280, v27;
	v28 =	vsel vm10, $0x3280, v28  }
0x11: {  	s14 =	sor.u32 $0x30, s4;
	s15 =	sadd.s32 $0x40, s4;
	v32 =	vsel vm10, $0x4280, v32;
	v1 =	vor.u32 s1, v23;
	v2 =	vor.u32 s2, v23  }
0x12: {  	s17 =	sadd.s32 $0x60, s4;
	s18 =	sadd.s32 $0x70, s4;
	s19 =	sadd.s32 $0x80, s4;
	v4 =	vshll.u32 v0, $0x1;
	v3 =	vor.u32 s14, v23;
	v5 =	vor.u32 s15, v23  }
0x13: {  	s21 =	sadd.s32 $0x90, s4;
	s23 =	sadd.s32 $0xC0, s4;
	s25 =	sadd.s32 $0xE0, s4;
	v7 =	vor.u32 s17, v23;
	v8 =	vor.u32 s18, v23;
	v9 =	vor.u32 s19, v23  }
0x14: {  	s28 =	sadd.s32 $0x100, s4;
	s29 =	sadd.s32 $0x110, s4;
	s30 =	sadd.s32 $0x120, s4;
	v11 =	vor.u32 s21, v23;
	v13 =	vor.u32 s23, v23;
	v15 =	vor.u32 s25, v23  }
0x15: {  	v17 =	vor.u32 s28, v23;
	v19 =	vor.u32 s29, v23;
	v20 =	vor.u32 s30, v23  }
0x16: {  	v26 =	vsel vm9, $0x1300, v26;
	v27 =	vsel vm9, $0x2300, v27;
	v28 =	vsel vm9, $0x3300, v28  }
0x17: {  	v32 =	vsel vm9, $0x4300, v32;
	v6 =	vand.u32 $0x7FFFFF90, v4;
	v4 =	vand.u32 $0x7, v23  }
0x18: {  	s16 =	sadd.s32 $0x50, s4;
	v26 =	vsel vm8, $0x1380, v26;
	v27 =	vsel vm8, $0x2380, v27;
	v28 =	vsel vm8, $0x3380, v28  }
0x19: {  	v32 =	vsel vm8, $0x4380, v32;
	v24 =	vor.u32 v4, v6;
	v6 =	vor.u32 s16, v23  }
0x1a: {  	v26 =	vsel vm7, $0x1800, v26;
	v27 =	vsel vm7, $0x2800, v27;
	v28 =	vsel vm7, $0x3800, v28  }
0x1b: {  	v32 =	vsel vm7, $0x4800, v32;
	v10 =	vshll.u32 v6, $0x1;
	v22 =	vperm.xlane v24, v4  }
0x1c: {  	s20 =	sadd.s32 $0xA0, s4;
	v26 =	vsel vm6, $0x1880, v26;
	v27 =	vsel vm6, $0x2880, v27;
	v28 =	vsel vm6, $0x3880, v28  }
0x1d: {  	v32 =	vsel vm6, $0x4880, v32;
	v12 =	vand.u32 $0xFFFFFFB0, v10;
	v10 =	vor.u32 s20, v23  }
0x1e: {  	v26 =	vsel vm5, $0x1900, v26;
	v27 =	vsel vm5, $0x2900, v27;
	v14 =	vshll.u32 v10, $0x1  }
0x1f: {  	s26 =	sadd.s32 $0xF0, s4;
	v28 =	vsel vm5, $0x3900, v28;
	v32 =	vsel vm5, $0x4900, v32;
	v16 =	vand.u32 $0xFFFFFFD0, v14  }
0x20: {  	s22 =	sadd.s32 $0xB0, s4;
	v29 =	vor.u32 v4, v12;
	v30 =	vor.u32 v4, v16;
	v16 =	vor.u32 s26, v23  }
0x21: {  	v12 =	vor.u32 s22, v23;
	v22 =	vadd.s32 v18, v22;
	v21 =	vshll.u32 v16, $0x1  }
0x22: {  	v26 =	vsel vm4, $0x1980, v26;
	v27 =	vsel vm4, $0x2980, v27;
	v25 =	vand.u32 $0xFFFFFFF0, v21  }
0x23: {  	s24 =	sadd.s32 $0xD0, s4;
	v28 =	vsel vm4, $0x3980, v28;
	v31 =	vor.u32 v4, v25;
	v25 =	vimm.s32 $0xB80  }
0x24: {  	v32 =	vsel vm4, $0x4980, v32;
	v14 =	vor.u32 s24, v23;
	v25 =	vsel vm13, $0x0, v25  }
0x25: {  	v26 =	vsel vm3, $0x1A00, v26;
	v27 =	vsel vm3, $0x2A00, v27;
	v25 =	vsel vm14, $0x80, v25  }
0x26: {  	v28 =	vsel vm3, $0x3A00, v28;
	v32 =	vsel vm3, $0x4A00, v32;
	v25 =	vsel vm15, $0x100, v25  }
0x27: {  	s5 =	rddreg [dreg:$0x0];
	v33 =	vperm.xlane v29, v4;
	v26 =	vsel vm2, $0x1A80, v26;
	v25 =	vsel vm12, $0x180, v25  }
0x28: {  	s6 =	rddreg [dreg:$0x1];
	s8 =	ssub.s32 $0x2, s3;
	v27 =	vsel vm2, $0x2A80, v27;
	v28 =	vsel vm2, $0x3A80, v28;
	v25 =	vsel vm11, $0x200, v25  }
0x29: {  	s11 =	simm.s32 $0x5180;
	s12 =	simm.s32 $0x5500;
	s10 =	sshrl.u32 s8, $0x1;
	v26 =	vsel vm1, $0x1B00, v26;
	v27 =	vsel vm1, $0x2B00, v27;
	v25 =	vsel vm10, $0x280, v25  }
0x2a: {  	s13 =	simm.s32 $0x800;
	s8 =	ssub.s32 s8, s10;
	s31 =	sadd.s32 $0x130, s4;
	v28 =	vsel vm1, $0x3B00, v28;
	v63 =	vperm.xlane v30, v4;
	v25 =	vsel vm9, $0x300, v25  }
0x2b: {  	s3 =	sadd.s32 $0xE00, s5;
	s10 =	simm.s32 $0x2;
	s8 =	smax.u32 s8, $0x1;
	v21 =	vor.u32 s31, v23;
	v23 =	vor.u32 $0x8, v23;
	v25 =	vsel vm8, $0x380, v25  }
0x2c: {  	s7 =	sshrl.u32 s4, $0x3;
	s4 =	sadd.s32 $0x51400, s5;
	s1 =	rddreg [dreg:$0x2];
	v24 =	vperm.xlane v24, v23;
	v34 =	vperm.xlane v29, v23;
	v25 =	vsel vm7, $0x800, v25  }
0x2d: {  	s2 =	simm.s32 $0x0;
	s9 =	sadd.s32 s7, s5;
	s6 =	sadd.s32 s6, s7;
	v29 =	vsel vm2, $0x4A80, v32;
	v35 =	vperm.xlane v30, v23;
	v25 =	vsel vm6, $0x880, v25  }
0x2e: {  	s14 =	simm.s32 $0x1000;
	s15 =	simm.s32 $0x1800;
	s17 =	simm.s32 $0x2800;
	v30 =	vadd.s32 v18, v33;
	v32 =	vadd.s32 v18, v63;
	v25 =	vsel vm5, $0x900, v25  }
0x2f: {  	s18 =	simm.s32 $0x3000;
	s19 =	simm.s32 $0x3800;
	s21 =	simm.s32 $0x4800;
	v29 =	vsel vm1, $0x4B00, v29;
	v36 =	vperm.xlane v31, v4;
	v25 =	vsel vm4, $0x980, v25  }
0x30: {  	s23 =	simm.s32 $0x5380;
	[smem:$0x7FF] =	sst s2;
	s5 =	sadd.s32 $0x50E00, s9;
	v37 =	vperm.xlane v31, v23;
	v24 =	vadd.s32 v18, v24;
	v25 =	vsel vm3, $0xA00, v25  }
0x31: {  	s7 =	sadd.s32 $0x51600, s9;
	s9 =	simm.s32 $0x5000;
	_ =	strace $0x80000047;
	v31 =	vadd.s32 v18, v34;
	v33 =	vadd.s32 v18, v35;
	v25 =	vsel vm2, $0xA80, v25  }
0x32: {  	s16 =	simm.s32 $0x2000;
	s20 =	simm.s32 $0x4000;
	s22 =	simm.s32 $0x1;
	v34 =	vadd.s32 v18, v36;
	v35 =	vadd.s32 v18, v37;
	v25 =	vsel vm1, $0xB00, v25  }
.LBB2_1:
0x33: {  	[tilespmem:s9], [sflag:$0x2] =	stream.linear.gather [hbm4b:s5+s2], $0x140, $0x38;
	[tilespmem:$0x5580] =	vst v63  }
0x34: {  	_ =	swait.ge [sflag:s10], $0x140  }
0x35: {  	[sflag:s10] =	ssyncset.done $0x0  }
0x36: {  	[sflag:s10] =	ssyncadd.s32 $0xFFFFFEC0  }
0x37: {  	[tilespmem:s11], [sflag:$0x2] =	stream.linear.gather [hbm4b:s6+s2], $0x140, $0x38;
	[tilespmem:$0x5580] =	vst v63  }
0x38: {  	_ =	swait.ge [sflag:s10], $0x140  }
0x39: {  	[sflag:s10] =	ssyncset.done $0x0  }
0x3a: {  	[sflag:s10] =	ssyncadd.s32 $0xFFFFFEC0  }
0x3b: {  	[tilespmem:s12], [sflag:$0x2] =	stream.linear.gather [hbm4b:s4+s2], $0x80, $0x38;
	[tilespmem:$0x5580] =	vst v63  }
0x3c: {  	_ =	swait.ge [sflag:s10], $0x80  }
0x3d: {  	[sflag:s10] =	ssyncset.done $0x0  }
0x3e: {  	[sflag:s10] =	ssyncadd.s32 $0xFFFFFF80  }
0x3f: {  	[tilespmem:$0x5300] =	vst v0  }
0x40: {  	[tilespmem:$0x5310] =	vst v1  }
0x41: {  	[tilespmem:$0x5320] =	vst v2  }
0x42: {  	[tilespmem:$0x5330] =	vst v3  }
0x43: {  	[tilespmem:$0x5340] =	vst v5  }
0x44: {  	v36 =	vld [tilespmem:$0x5500];
	[tilespmem:s2], [sflag:$0x1] =	stream.indirect_vreg.gather [hbm4b:s3+s2], $0x80, v22, vm0, $0xb8  }
0x45: {  	_ = 	snop  }
0x46: {  	[tilespmem:s13], [sflag:$0x1] =	stream.indirect_vreg.gather [hbm4b:s3+s2], $0x80, v24, vm0, $0xb8;
	[tilespmem:$0x5580] =	vst v63  }
0x47: {  	v37 =	vld [tilespmem:$0x5310];
	_ =	sdelay $0x4  }
0x48: {  	v38 =	vshll.u32 v37, $0x1  }
0x49: {  	v37 =	vand.u32 $0x7, v37;
	v38 =	vand.u32 $0xFFFFFFF0, v38  }
0x4a: {  	v37 =	vor.u32 v37, v38  }
0x4b: {  	v38 =	vperm.xlane v37, v4;
	_ =	sdelay $0x1  }
0x4c: {  	v37 =	vperm.xlane v37, v23;
	v38 =	vadd.s32 v18, v38;
	_ =	sdelay $0x1  }
0x4d: {  	v37 =	vadd.s32 v18, v37;
	_ =	sdelay $0x2  }
0x4e: {  	[tilespmem:s14], [sflag:$0x1] =	stream.indirect_vreg.gather [hbm4b:s3+s2], $0x80, v38, vm0, $0xb8;
	[tilespmem:$0x5580] =	vst v63  }
0x4f: {  	_ = 	snop  }
0x50: {  	[tilespmem:s15], [sflag:$0x1] =	stream.indirect_vreg.gather [hbm4b:s3+s2], $0x80, v37, vm0, $0xb8;
	[tilespmem:$0x5580] =	vst v63  }
0x51: {  	v37 =	vld [tilespmem:$0x5320];
	_ =	sdelay $0x4  }
0x52: {  	v49 =	vshll.u32 v37, $0x1  }
0x53: {  	v37 =	vand.u32 $0x7, v37;
	v38 =	vand.u32 $0xFFFFFFF0, v49  }
0x54: {  	v37 =	vor.u32 v37, v38  }
0x55: {  	v38 =	vperm.xlane v37, v4;
	_ =	sdelay $0x1  }
0x56: {  	v37 =	vperm.xlane v37, v23;
	v38 =	vadd.s32 v18, v38;
	_ =	sdelay $0x1  }
0x57: {  	v37 =	vadd.s32 v18, v37;
	_ =	sdelay $0x2  }
0x58: {  	[tilespmem:s16], [sflag:$0x1] =	stream.indirect_vreg.gather [hbm4b:s3+s2], $0x80, v38, vm0, $0xb8;
	[tilespmem:$0x5580] =	vst v63  }
0x59: {  	_ = 	snop  }
0x5a: {  	[tilespmem:s17], [sflag:$0x1] =	stream.indirect_vreg.gather [hbm4b:s3+s2], $0x80, v37, vm0, $0xb8;
	[tilespmem:$0x5580] =	vst v63  }
0x5b: {  	v37 =	vld [tilespmem:$0x5330];
	_ =	sdelay $0x4  }
0x5c: {  	v50 =	vshll.u32 v37, $0x1  }
0x5d: {  	v37 =	vand.u32 $0x7, v37;
	v38 =	vand.u32 $0xFFFFFFF0, v50  }
0x5e: {  	v37 =	vor.u32 v37, v38  }
0x5f: {  	v38 =	vperm.xlane v37, v4;
	_ =	sdelay $0x1  }
0x60: {  	v37 =	vperm.xlane v37, v23;
	v38 =	vadd.s32 v18, v38;
	_ =	sdelay $0x1  }
0x61: {  	v37 =	vadd.s32 v18, v37;
	_ =	sdelay $0x2  }
0x62: {  	[tilespmem:s18], [sflag:$0x1] =	stream.indirect_vreg.gather [hbm4b:s3+s2], $0x80, v38, vm0, $0xb8;
	[tilespmem:$0x5580] =	vst v63  }
0x63: {  	_ = 	snop  }
0x64: {  	[tilespmem:s19], [sflag:$0x1] =	stream.indirect_vreg.gather [hbm4b:s3+s2], $0x80, v37, vm0, $0xb8;
	[tilespmem:$0x5580] =	vst v63  }
0x65: {  	v37 =	vld [tilespmem:$0x5340];
	_ =	sdelay $0x4  }
0x66: {  	v51 =	vshll.u32 v37, $0x1  }
0x67: {  	v37 =	vand.u32 $0x7, v37;
	v38 =	vand.u32 $0xFFFFFFF0, v51  }
0x68: {  	v37 =	vor.u32 v37, v38  }
0x69: {  	v38 =	vperm.xlane v37, v4;
	_ =	sdelay $0x1  }
0x6a: {  	v37 =	vperm.xlane v37, v23;
	v38 =	vadd.s32 v18, v38;
	_ =	sdelay $0x1  }
0x6b: {  	v37 =	vadd.s32 v18, v37;
	_ =	sdelay $0x2  }
0x6c: {  	[tilespmem:s20], [sflag:$0x1] =	stream.indirect_vreg.gather [hbm4b:s3+s2], $0x80, v38, vm0, $0xb8;
	[tilespmem:$0x5580] =	vst v63  }
0x6d: {  	_ = 	snop  }
0x6e: {  	[tilespmem:s21], [sflag:$0x1] =	stream.indirect_vreg.gather [hbm4b:s3+s2], $0x80, v37, vm0, $0xb8;
	[tilespmem:$0x5580] =	vst v63  }
0x6f: {  	_ =	swait.ge [sflag:s22], $0x5000  }
0x70: {  	[sflag:s22] =	ssyncset.done $0x0  }
0x71: {  	[sflag:s22] =	ssyncadd.s32 $0xFFFFB000  }
0x72: {  	v52 =	vld [tilespmem:$0x5000];
	_ =	sdelay $0x4  }
0x73: {  	v53 =	vshll.u32 v52, $0x3  }
0x74: {  	v37 =	vand.u32 $0x7F, v52;
	v38 =	vand.u32 $0xFFFFFC00, v53  }
0x75: {  	v37 =	vor.u32 v37, v38  }
0x76: {  	v54 =	vld [tilespmem:$0x5010];
	v37 =	vadd.s32 v25, v37;
	_ =	sdelay $0x3  }
0x77: {  	v39 =	vld [tilespmem:$0x5180]  }
0x78: {  	v40 =	vshll.u32 v54, $0x3;
	v37 =	vld.idx.msk [tilespmem:v37+s2+$0x0], $0xffff  }
0x79: {  	v40 =	vand.u32 $0xFFFFFC00, v40;
	v38 =	vand.u32 $0x7F, v54  }
0x7a: {  	v38 =	vor.u32 v38, v40  }
0x7b: {  	v55 =	vld [tilespmem:$0x5020];
	v38 =	vadd.s32 v26, v38;
	_ =	sdelay $0x1  }
0x7c: {  	vm1 =	veq.s32 v37, v39  }
0x7d: {  	v37 =	vsel vm1, v36, v37  }
0x7e: {  	v56 =	vld [tilespmem:$0x5190];
	[tilespmem:$0x5380] =	vst v37  }
0x7f: {  	v57 =	vshll.u32 v55, $0x3;
	v37 =	vld.idx.msk [tilespmem:v38+s2+$0x0], $0xffff  }
0x80: {  	v40 =	vand.u32 $0x7F, v55;
	v39 =	vand.u32 $0xFFFFFC00, v57  }
0x81: {  	v39 =	vor.u32 v40, v39  }
0x82: {  	v58 =	vld [tilespmem:$0x5030];
	v39 =	vadd.s32 v27, v39;
	_ =	sdelay $0x1  }
0x83: {  	vm1 =	veq.s32 v37, v56  }
0x84: {  	v37 =	vsel vm1, v36, v37  }
0x85: {  	v59 =	vld [tilespmem:$0x51A0];
	[tilespmem:$0x5390] =	vst v37  }
0x86: {  	v60 =	vshll.u32 v58, $0x3;
	v37 =	vld.idx.msk [tilespmem:v39+s2+$0x0], $0xffff  }
0x87: {  	v40 =	vand.u32 $0x7F, v58;
	v39 =	vand.u32 $0xFFFFFC00, v60  }
0x88: {  	v39 =	vor.u32 v40, v39  }
0x89: {  	v61 =	vld [tilespmem:$0x5040];
	v39 =	vadd.s32 v28, v39;
	_ =	sdelay $0x1  }
0x8a: {  	vm1 =	veq.s32 v37, v59  }
0x8b: {  	v37 =	vsel vm1, v36, v37  }
0x8c: {  	v62 =	vld [tilespmem:$0x51B0];
	[tilespmem:$0x53A0] =	vst v37  }
0x8d: {  	v63 =	vshll.u32 v61, $0x3;
	v37 =	vld.idx.msk [tilespmem:v39+s2+$0x0], $0xffff  }
0x8e: {  	v40 =	vand.u32 $0x7F, v61;
	v39 =	vand.u32 $0xFFFFFC00, v63  }
0x8f: {  	v39 =	vor.u32 v40, v39  }
0x90: {  	v39 =	vadd.s32 v29, v39;
	_ =	sdelay $0x1  }
0x91: {  	vm1 =	veq.s32 v37, v62  }
0x92: {  	v37 =	vsel vm1, v36, v37  }
0x93: {  	v44 =	vld [tilespmem:$0x51C0];
	[tilespmem:$0x53B0] =	vst v37  }
0x94: {  	v37 =	vld.idx.msk [tilespmem:v39+s2+$0x0], $0xffff;
	_ =	sdelay $0x1  }
0x95: {  	[tilespmem:$0x5300] =	vst v6  }
0x96: {  	[tilespmem:$0x5310] =	vst v7  }
0x97: {  	[tilespmem:$0x5320] =	vst v8  }
0x98: {  	[tilespmem:$0x5330] =	vst v9;
	vm1 =	veq.s32 v37, v44  }
0x99: {  	[tilespmem:$0x5340] =	vst v11;
	v37 =	vsel vm1, v36, v37  }
0x9a: {  	[tilespmem:$0x53C0] =	vst v37  }
0x9b: {  	[tilespmem:s2], [sflag:$0x1] =	stream.indirect_vreg.gather [hbm4b:s3+s2], $0x80, v30, vm0, $0xb8;
	[tilespmem:$0x5580] =	vst v63  }
0x9c: {  	_ = 	snop  }
0x9d: {  	[tilespmem:s13], [sflag:$0x1] =	stream.indirect_vreg.gather [hbm4b:s3+s2], $0x80, v31, vm0, $0xb8;
	[tilespmem:$0x5580] =	vst v63  }
0x9e: {  	v45 =	vld [tilespmem:$0x5310];
	_ =	sdelay $0x4  }
0x9f: {  	v46 =	vshll.u32 v45, $0x1  }
0xa0: {  	v37 =	vand.u32 $0x7, v45;
	v38 =	vand.u32 $0xFFFFFFF0, v46  }
0xa1: {  	v37 =	vor.u32 v37, v38  }
0xa2: {  	v38 =	vperm.xlane v37, v4;
	_ =	sdelay $0x1  }
0xa3: {  	v37 =	vperm.xlane v37, v23;
	v38 =	vadd.s32 v18, v38;
	_ =	sdelay $0x1  }
0xa4: {  	v37 =	vadd.s32 v18, v37;
	_ =	sdelay $0x2  }
0xa5: {  	[tilespmem:s14], [sflag:$0x1] =	stream.indirect_vreg.gather [hbm4b:s3+s2], $0x80, v38, vm0, $0xb8;
	[tilespmem:$0x5580] =	vst v63  }
0xa6: {  	_ = 	snop  }
0xa7: {  	[tilespmem:s15], [sflag:$0x1] =	stream.indirect_vreg.gather [hbm4b:s3+s2], $0x80, v37, vm0, $0xb8;
	[tilespmem:$0x5580] =	vst v63  }
0xa8: {  	v37 =	vld [tilespmem:$0x5320];
	_ =	sdelay $0x4  }
0xa9: {  	v47 =	vshll.u32 v37, $0x1  }
0xaa: {  	v37 =	vand.u32 $0x7, v37;
	v38 =	vand.u32 $0xFFFFFFF0, v47  }
0xab: {  	v37 =	vor.u32 v37, v38  }
0xac: {  	v38 =	vperm.xlane v37, v4;
	_ =	sdelay $0x1  }
0xad: {  	v37 =	vperm.xlane v37, v23;
	v38 =	vadd.s32 v18, v38;
	_ =	sdelay $0x1  }
0xae: {  	v37 =	vadd.s32 v18, v37;
	_ =	sdelay $0x2  }
0xaf: {  	[tilespmem:s16], [sflag:$0x1] =	stream.indirect_vreg.gather [hbm4b:s3+s2], $0x80, v38, vm0, $0xb8;
	[tilespmem:$0x5580] =	vst v63  }
0xb0: {  	_ = 	snop  }
0xb1: {  	[tilespmem:s17], [sflag:$0x1] =	stream.indirect_vreg.gather [hbm4b:s3+s2], $0x80, v37, vm0, $0xb8;
	[tilespmem:$0x5580] =	vst v63  }
0xb2: {  	v37 =	vld [tilespmem:$0x5330];
	_ =	sdelay $0x4  }
0xb3: {  	v48 =	vshll.u32 v37, $0x1  }
0xb4: {  	v37 =	vand.u32 $0x7, v37;
	v38 =	vand.u32 $0xFFFFFFF0, v48  }
0xb5: {  	v37 =	vor.u32 v37, v38  }
0xb6: {  	v38 =	vperm.xlane v37, v4;
	_ =	sdelay $0x1  }
0xb7: {  	v37 =	vperm.xlane v37, v23;
	v38 =	vadd.s32 v18, v38;
	_ =	sdelay $0x1  }
0xb8: {  	v37 =	vadd.s32 v18, v37;
	_ =	sdelay $0x2  }
0xb9: {  	[tilespmem:s18], [sflag:$0x1] =	stream.indirect_vreg.gather [hbm4b:s3+s2], $0x80, v38, vm0, $0xb8;
	[tilespmem:$0x5580] =	vst v63  }
0xba: {  	_ = 	snop  }
0xbb: {  	[tilespmem:s19], [sflag:$0x1] =	stream.indirect_vreg.gather [hbm4b:s3+s2], $0x80, v37, vm0, $0xb8;
	[tilespmem:$0x5580] =	vst v63  }
0xbc: {  	v37 =	vld [tilespmem:$0x5340];
	_ =	sdelay $0x4  }
0xbd: {  	v49 =	vshll.u32 v37, $0x1  }
0xbe: {  	v37 =	vand.u32 $0x7, v37;
	v38 =	vand.u32 $0xFFFFFFF0, v49  }
0xbf: {  	v37 =	vor.u32 v37, v38  }
0xc0: {  	v38 =	vperm.xlane v37, v4;
	_ =	sdelay $0x1  }
0xc1: {  	v37 =	vperm.xlane v37, v23;
	v38 =	vadd.s32 v18, v38;
	_ =	sdelay $0x1  }
0xc2: {  	v37 =	vadd.s32 v18, v37;
	_ =	sdelay $0x2  }
0xc3: {  	[tilespmem:s20], [sflag:$0x1] =	stream.indirect_vreg.gather [hbm4b:s3+s2], $0x80, v38, vm0, $0xb8;
	[tilespmem:$0x5580] =	vst v63  }
0xc4: {  	_ = 	snop  }
0xc5: {  	[tilespmem:s21], [sflag:$0x1] =	stream.indirect_vreg.gather [hbm4b:s3+s2], $0x80, v37, vm0, $0xb8;
	[tilespmem:$0x5580] =	vst v63  }
0xc6: {  	_ =	swait.ge [sflag:s22], $0x5000  }
0xc7: {  	[sflag:s22] =	ssyncset.done $0x0  }
0xc8: {  	[sflag:s22] =	ssyncadd.s32 $0xFFFFB000  }
0xc9: {  	v50 =	vld [tilespmem:$0x5050];
	_ =	sdelay $0x4  }
0xca: {  	v51 =	vshll.u32 v50, $0x3  }
0xcb: {  	v37 =	vand.u32 $0x7F, v50;
	v38 =	vand.u32 $0xFFFFFC00, v51  }
0xcc: {  	v37 =	vor.u32 v37, v38  }
0xcd: {  	v52 =	vld [tilespmem:$0x5060];
	v37 =	vadd.s32 v25, v37;
	_ =	sdelay $0x3  }
0xce: {  	v53 =	vld [tilespmem:$0x51D0]  }
0xcf: {  	v54 =	vshll.u32 v52, $0x3;
	v37 =	vld.idx.msk [tilespmem:v37+s2+$0x0], $0xffff  }
0xd0: {  	v40 =	vand.u32 $0xFFFFFC00, v54;
	v38 =	vand.u32 $0x7F, v52  }
0xd1: {  	v38 =	vor.u32 v38, v40  }
0xd2: {  	v55 =	vld [tilespmem:$0x5070];
	v38 =	vadd.s32 v26, v38;
	_ =	sdelay $0x1  }
0xd3: {  	vm1 =	veq.s32 v37, v53  }
0xd4: {  	v37 =	vsel vm1, v36, v37  }
0xd5: {  	v56 =	vld [tilespmem:$0x51E0];
	[tilespmem:$0x53D0] =	vst v37  }
0xd6: {  	v57 =	vshll.u32 v55, $0x3;
	v37 =	vld.idx.msk [tilespmem:v38+s2+$0x0], $0xffff  }
0xd7: {  	v39 =	vand.u32 $0xFFFFFC00, v57;
	v40 =	vand.u32 $0x7F, v55  }
0xd8: {  	v39 =	vor.u32 v40, v39  }
0xd9: {  	v58 =	vld [tilespmem:$0x5080];
	v39 =	vadd.s32 v27, v39;
	_ =	sdelay $0x1  }
0xda: {  	vm1 =	veq.s32 v37, v56  }
0xdb: {  	v37 =	vsel vm1, v36, v37  }
0xdc: {  	v59 =	vld [tilespmem:$0x51F0];
	[tilespmem:$0x53E0] =	vst v37  }
0xdd: {  	v60 =	vshll.u32 v58, $0x3;
	v37 =	vld.idx.msk [tilespmem:v39+s2+$0x0], $0xffff  }
0xde: {  	v40 =	vand.u32 $0x7F, v58;
	v39 =	vand.u32 $0xFFFFFC00, v60  }
0xdf: {  	v39 =	vor.u32 v40, v39  }
0xe0: {  	v61 =	vld [tilespmem:$0x5090];
	v39 =	vadd.s32 v28, v39;
	_ =	sdelay $0x1  }
0xe1: {  	vm1 =	veq.s32 v37, v59  }
0xe2: {  	v37 =	vsel vm1, v36, v37  }
0xe3: {  	v62 =	vld [tilespmem:$0x5200];
	[tilespmem:$0x53F0] =	vst v37  }
0xe4: {  	v63 =	vshll.u32 v61, $0x3;
	v37 =	vld.idx.msk [tilespmem:v39+s2+$0x0], $0xffff  }
0xe5: {  	v40 =	vand.u32 $0x7F, v61;
	v39 =	vand.u32 $0xFFFFFC00, v63  }
0xe6: {  	v39 =	vor.u32 v40, v39  }
0xe7: {  	v39 =	vadd.s32 v29, v39;
	_ =	sdelay $0x1  }
0xe8: {  	vm1 =	veq.s32 v37, v62  }
0xe9: {  	v37 =	vsel vm1, v36, v37  }
0xea: {  	v44 =	vld [tilespmem:$0x5210];
	[tilespmem:$0x5400] =	vst v37  }
0xeb: {  	v37 =	vld.idx.msk [tilespmem:v39+s2+$0x0], $0xffff;
	_ =	sdelay $0x1  }
0xec: {  	[tilespmem:$0x5300] =	vst v10  }
0xed: {  	[tilespmem:$0x5310] =	vst v12  }
0xee: {  	[tilespmem:$0x5320] =	vst v13  }
0xef: {  	[tilespmem:$0x5330] =	vst v14;
	vm1 =	veq.s32 v37, v44  }
0xf0: {  	[tilespmem:$0x5340] =	vst v15;
	v37 =	vsel vm1, v36, v37  }
0xf1: {  	[tilespmem:$0x5410] =	vst v37  }
0xf2: {  	[tilespmem:s2], [sflag:$0x1] =	stream.indirect_vreg.gather [hbm4b:s3+s2], $0x80, v32, vm0, $0xb8;
	[tilespmem:$0x5580] =	vst v63  }
0xf3: {  	_ = 	snop  }
0xf4: {  	[tilespmem:s13], [sflag:$0x1] =	stream.indirect_vreg.gather [hbm4b:s3+s2], $0x80, v33, vm0, $0xb8;
	[tilespmem:$0x5580] =	vst v63  }
0xf5: {  	v45 =	vld [tilespmem:$0x5310];
	_ =	sdelay $0x4  }
0xf6: {  	v46 =	vshll.u32 v45, $0x1  }
0xf7: {  	v37 =	vand.u32 $0x7, v45;
	v38 =	vand.u32 $0xFFFFFFF0, v46  }
0xf8: {  	v37 =	vor.u32 v37, v38  }
0xf9: {  	v38 =	vperm.xlane v37, v4;
	_ =	sdelay $0x1  }
0xfa: {  	v37 =	vperm.xlane v37, v23;
	v38 =	vadd.s32 v18, v38;
	_ =	sdelay $0x1  }
0xfb: {  	v37 =	vadd.s32 v18, v37;
	_ =	sdelay $0x2  }
0xfc: {  	[tilespmem:s14], [sflag:$0x1] =	stream.indirect_vreg.gather [hbm4b:s3+s2], $0x80, v38, vm0, $0xb8;
	[tilespmem:$0x5580] =	vst v63  }
0xfd: {  	_ = 	snop  }
0xfe: {  	[tilespmem:s15], [sflag:$0x1] =	stream.indirect_vreg.gather [hbm4b:s3+s2], $0x80, v37, vm0, $0xb8;
	[tilespmem:$0x5580] =	vst v63  }
0xff: {  	v37 =	vld [tilespmem:$0x5320];
	_ =	sdelay $0x4  }
0x100: {  	v47 =	vshll.u32 v37, $0x1  }
0x101: {  	v37 =	vand.u32 $0x7, v37;
	v38 =	vand.u32 $0xFFFFFFF0, v47  }
0x102: {  	v37 =	vor.u32 v37, v38  }
0x103: {  	v38 =	vperm.xlane v37, v4;
	_ =	sdelay $0x1  }
0x104: {  	v37 =	vperm.xlane v37, v23;
	v38 =	vadd.s32 v18, v38;
	_ =	sdelay $0x1  }
0x105: {  	v37 =	vadd.s32 v18, v37;
	_ =	sdelay $0x2  }
0x106: {  	[tilespmem:s16], [sflag:$0x1] =	stream.indirect_vreg.gather [hbm4b:s3+s2], $0x80, v38, vm0, $0xb8;
	[tilespmem:$0x5580] =	vst v63  }
0x107: {  	_ = 	snop  }
0x108: {  	[tilespmem:s17], [sflag:$0x1] =	stream.indirect_vreg.gather [hbm4b:s3+s2], $0x80, v37, vm0, $0xb8;
	[tilespmem:$0x5580] =	vst v63  }
0x109: {  	v37 =	vld [tilespmem:$0x5330];
	_ =	sdelay $0x4  }
0x10a: {  	v48 =	vshll.u32 v37, $0x1  }
0x10b: {  	v37 =	vand.u32 $0x7, v37;
	v38 =	vand.u32 $0xFFFFFFF0, v48  }
0x10c: {  	v37 =	vor.u32 v37, v38  }
0x10d: {  	v38 =	vperm.xlane v37, v4;
	_ =	sdelay $0x1  }
0x10e: {  	v37 =	vperm.xlane v37, v23;
	v38 =	vadd.s32 v18, v38;
	_ =	sdelay $0x1  }
0x10f: {  	v37 =	vadd.s32 v18, v37;
	_ =	sdelay $0x2  }
0x110: {  	[tilespmem:s18], [sflag:$0x1] =	stream.indirect_vreg.gather [hbm4b:s3+s2], $0x80, v38, vm0, $0xb8;
	[tilespmem:$0x5580] =	vst v63  }
0x111: {  	_ = 	snop  }
0x112: {  	[tilespmem:s19], [sflag:$0x1] =	stream.indirect_vreg.gather [hbm4b:s3+s2], $0x80, v37, vm0, $0xb8;
	[tilespmem:$0x5580] =	vst v63  }
0x113: {  	v37 =	vld [tilespmem:$0x5340];
	_ =	sdelay $0x4  }
0x114: {  	v49 =	vshll.u32 v37, $0x1  }
0x115: {  	v37 =	vand.u32 $0x7, v37;
	v38 =	vand.u32 $0xFFFFFFF0, v49  }
0x116: {  	v37 =	vor.u32 v37, v38  }
0x117: {  	v38 =	vperm.xlane v37, v4;
	_ =	sdelay $0x1  }
0x118: {  	v37 =	vperm.xlane v37, v23;
	v38 =	vadd.s32 v18, v38;
	_ =	sdelay $0x1  }
0x119: {  	v37 =	vadd.s32 v18, v37;
	_ =	sdelay $0x2  }
0x11a: {  	[tilespmem:s20], [sflag:$0x1] =	stream.indirect_vreg.gather [hbm4b:s3+s2], $0x80, v38, vm0, $0xb8;
	[tilespmem:$0x5580] =	vst v63  }
0x11b: {  	_ = 	snop  }
0x11c: {  	[tilespmem:s21], [sflag:$0x1] =	stream.indirect_vreg.gather [hbm4b:s3+s2], $0x80, v37, vm0, $0xb8;
	[tilespmem:$0x5580] =	vst v63  }
0x11d: {  	_ =	swait.ge [sflag:s22], $0x5000  }
0x11e: {  	[sflag:s22] =	ssyncset.done $0x0  }
0x11f: {  	[sflag:s22] =	ssyncadd.s32 $0xFFFFB000  }
0x120: {  	v50 =	vld [tilespmem:$0x50A0];
	_ =	sdelay $0x4  }
0x121: {  	v51 =	vshll.u32 v50, $0x3  }
0x122: {  	v37 =	vand.u32 $0x7F, v50;
	v38 =	vand.u32 $0xFFFFFC00, v51  }
0x123: {  	v37 =	vor.u32 v37, v38  }
0x124: {  	v52 =	vld [tilespmem:$0x50B0];
	v37 =	vadd.s32 v25, v37;
	_ =	sdelay $0x3  }
0x125: {  	v53 =	vld [tilespmem:$0x5220]  }
0x126: {  	v54 =	vshll.u32 v52, $0x3;
	v37 =	vld.idx.msk [tilespmem:v37+s2+$0x0], $0xffff  }
0x127: {  	v40 =	vand.u32 $0xFFFFFC00, v54;
	v38 =	vand.u32 $0x7F, v52  }
0x128: {  	v38 =	vor.u32 v38, v40  }
0x129: {  	v55 =	vld [tilespmem:$0x50C0];
	v38 =	vadd.s32 v26, v38;
	_ =	sdelay $0x1  }
0x12a: {  	vm1 =	veq.s32 v37, v53  }
0x12b: {  	v37 =	vsel vm1, v36, v37  }
0x12c: {  	v56 =	vld [tilespmem:$0x5230];
	[tilespmem:$0x5420] =	vst v37  }
0x12d: {  	v57 =	vshll.u32 v55, $0x3;
	v37 =	vld.idx.msk [tilespmem:v38+s2+$0x0], $0xffff  }
0x12e: {  	v39 =	vand.u32 $0xFFFFFC00, v57;
	v40 =	vand.u32 $0x7F, v55  }
0x12f: {  	v39 =	vor.u32 v40, v39  }
0x130: {  	v58 =	vld [tilespmem:$0x50D0];
	v39 =	vadd.s32 v27, v39;
	_ =	sdelay $0x1  }
0x131: {  	vm1 =	veq.s32 v37, v56  }
0x132: {  	v37 =	vsel vm1, v36, v37  }
0x133: {  	v59 =	vld [tilespmem:$0x5240];
	[tilespmem:$0x5430] =	vst v37  }
0x134: {  	v60 =	vshll.u32 v58, $0x3;
	v37 =	vld.idx.msk [tilespmem:v39+s2+$0x0], $0xffff  }
0x135: {  	v40 =	vand.u32 $0x7F, v58;
	v39 =	vand.u32 $0xFFFFFC00, v60  }
0x136: {  	v39 =	vor.u32 v40, v39  }
0x137: {  	v61 =	vld [tilespmem:$0x50E0];
	v39 =	vadd.s32 v28, v39;
	_ =	sdelay $0x1  }
0x138: {  	vm1 =	veq.s32 v37, v59  }
0x139: {  	v37 =	vsel vm1, v36, v37  }
0x13a: {  	v62 =	vld [tilespmem:$0x5250];
	[tilespmem:$0x5440] =	vst v37  }
0x13b: {  	v63 =	vshll.u32 v61, $0x3;
	v37 =	vld.idx.msk [tilespmem:v39+s2+$0x0], $0xffff  }
0x13c: {  	v40 =	vand.u32 $0x7F, v61;
	v39 =	vand.u32 $0xFFFFFC00, v63  }
0x13d: {  	v39 =	vor.u32 v40, v39  }
0x13e: {  	v39 =	vadd.s32 v29, v39;
	_ =	sdelay $0x1  }
0x13f: {  	vm1 =	veq.s32 v37, v62  }
0x140: {  	v37 =	vsel vm1, v36, v37  }
0x141: {  	v43 =	vld [tilespmem:$0x5260];
	[tilespmem:$0x5450] =	vst v37  }
0x142: {  	v37 =	vld.idx.msk [tilespmem:v39+s2+$0x0], $0xffff;
	_ =	sdelay $0x1  }
0x143: {  	[tilespmem:$0x5300] =	vst v16  }
0x144: {  	[tilespmem:$0x5310] =	vst v17  }
0x145: {  	[tilespmem:$0x5320] =	vst v19  }
0x146: {  	[tilespmem:$0x5330] =	vst v20;
	vm1 =	veq.s32 v37, v43  }
0x147: {  	[tilespmem:$0x5340] =	vst v21;
	v37 =	vsel vm1, v36, v37  }
0x148: {  	[tilespmem:$0x5460] =	vst v37  }
0x149: {  	[tilespmem:s2], [sflag:$0x1] =	stream.indirect_vreg.gather [hbm4b:s3+s2], $0x80, v34, vm0, $0xb8;
	[tilespmem:$0x5580] =	vst v63  }
0x14a: {  	_ = 	snop  }
0x14b: {  	[tilespmem:s13], [sflag:$0x1] =	stream.indirect_vreg.gather [hbm4b:s3+s2], $0x80, v35, vm0, $0xb8;
	[tilespmem:$0x5580] =	vst v63  }
0x14c: {  	v44 =	vld [tilespmem:$0x5310];
	_ =	sdelay $0x4  }
0x14d: {  	v45 =	vshll.u32 v44, $0x1  }
0x14e: {  	v37 =	vand.u32 $0x7, v44;
	v38 =	vand.u32 $0xFFFFFFF0, v45  }
0x14f: {  	v37 =	vor.u32 v37, v38  }
0x150: {  	v38 =	vperm.xlane v37, v4;
	_ =	sdelay $0x1  }
0x151: {  	v37 =	vperm.xlane v37, v23;
	v38 =	vadd.s32 v18, v38;
	_ =	sdelay $0x1  }
0x152: {  	v37 =	vadd.s32 v18, v37;
	_ =	sdelay $0x2  }
0x153: {  	[tilespmem:s14], [sflag:$0x1] =	stream.indirect_vreg.gather [hbm4b:s3+s2], $0x80, v38, vm0, $0xb8;
	[tilespmem:$0x5580] =	vst v63  }
0x154: {  	_ = 	snop  }
0x155: {  	[tilespmem:s15], [sflag:$0x1] =	stream.indirect_vreg.gather [hbm4b:s3+s2], $0x80, v37, vm0, $0xb8;
	[tilespmem:$0x5580] =	vst v63  }
0x156: {  	v37 =	vld [tilespmem:$0x5320];
	_ =	sdelay $0x4  }
0x157: {  	v46 =	vshll.u32 v37, $0x1  }
0x158: {  	v37 =	vand.u32 $0x7, v37;
	v38 =	vand.u32 $0xFFFFFFF0, v46  }
0x159: {  	v37 =	vor.u32 v37, v38  }
0x15a: {  	v38 =	vperm.xlane v37, v4;
	_ =	sdelay $0x1  }
0x15b: {  	v37 =	vperm.xlane v37, v23;
	v38 =	vadd.s32 v18, v38;
	_ =	sdelay $0x1  }
0x15c: {  	v37 =	vadd.s32 v18, v37;
	_ =	sdelay $0x2  }
0x15d: {  	[tilespmem:s16], [sflag:$0x1] =	stream.indirect_vreg.gather [hbm4b:s3+s2], $0x80, v38, vm0, $0xb8;
	[tilespmem:$0x5580] =	vst v63  }
0x15e: {  	_ = 	snop  }
0x15f: {  	[tilespmem:s17], [sflag:$0x1] =	stream.indirect_vreg.gather [hbm4b:s3+s2], $0x80, v37, vm0, $0xb8;
	[tilespmem:$0x5580] =	vst v63  }
0x160: {  	v37 =	vld [tilespmem:$0x5330];
	_ =	sdelay $0x4  }
0x161: {  	v47 =	vshll.u32 v37, $0x1  }
0x162: {  	v37 =	vand.u32 $0x7, v37;
	v38 =	vand.u32 $0xFFFFFFF0, v47  }
0x163: {  	v37 =	vor.u32 v37, v38  }
0x164: {  	v38 =	vperm.xlane v37, v4;
	_ =	sdelay $0x1  }
0x165: {  	v37 =	vperm.xlane v37, v23;
	v38 =	vadd.s32 v18, v38;
	_ =	sdelay $0x1  }
0x166: {  	v37 =	vadd.s32 v18, v37;
	_ =	sdelay $0x2  }
0x167: {  	[tilespmem:s18], [sflag:$0x1] =	stream.indirect_vreg.gather [hbm4b:s3+s2], $0x80, v38, vm0, $0xb8;
	[tilespmem:$0x5580] =	vst v63  }
0x168: {  	_ = 	snop  }
0x169: {  	[tilespmem:s19], [sflag:$0x1] =	stream.indirect_vreg.gather [hbm4b:s3+s2], $0x80, v37, vm0, $0xb8;
	[tilespmem:$0x5580] =	vst v63  }
0x16a: {  	v37 =	vld [tilespmem:$0x5340];
	_ =	sdelay $0x4  }
0x16b: {  	v48 =	vshll.u32 v37, $0x1  }
0x16c: {  	v37 =	vand.u32 $0x7, v37;
	v38 =	vand.u32 $0xFFFFFFF0, v48  }
0x16d: {  	v37 =	vor.u32 v37, v38  }
0x16e: {  	v38 =	vperm.xlane v37, v4;
	_ =	sdelay $0x1  }
0x16f: {  	v37 =	vperm.xlane v37, v23;
	v38 =	vadd.s32 v18, v38;
	_ =	sdelay $0x1  }
0x170: {  	v37 =	vadd.s32 v18, v37;
	_ =	sdelay $0x2  }
0x171: {  	[tilespmem:s20], [sflag:$0x1] =	stream.indirect_vreg.gather [hbm4b:s3+s2], $0x80, v38, vm0, $0xb8;
	[tilespmem:$0x5580] =	vst v63  }
0x172: {  	_ = 	snop  }
0x173: {  	[tilespmem:s21], [sflag:$0x1] =	stream.indirect_vreg.gather [hbm4b:s3+s2], $0x80, v37, vm0, $0xb8;
	[tilespmem:$0x5580] =	vst v63  }
0x174: {  	_ =	swait.ge [sflag:s22], $0x5000  }
0x175: {  	[sflag:s22] =	ssyncset.done $0x0  }
0x176: {  	[sflag:s22] =	ssyncadd.s32 $0xFFFFB000  }
0x177: {  	v49 =	vld [tilespmem:$0x50F0];
	_ =	sdelay $0x4  }
0x178: {  	v50 =	vshll.u32 v49, $0x3  }
0x179: {  	v37 =	vand.u32 $0x7F, v49;
	v38 =	vand.u32 $0xFFFFFC00, v50  }
0x17a: {  	v37 =	vor.u32 v37, v38  }
0x17b: {  	v51 =	vld [tilespmem:$0x5100];
	v37 =	vadd.s32 v25, v37;
	_ =	sdelay $0x3  }
0x17c: {  	v52 =	vld [tilespmem:$0x5270]  }
0x17d: {  	v53 =	vshll.u32 v51, $0x3;
	v37 =	vld.idx.msk [tilespmem:v37+s2+$0x0], $0xffff  }
0x17e: {  	v40 =	vand.u32 $0xFFFFFC00, v53;
	v38 =	vand.u32 $0x7F, v51  }
0x17f: {  	v38 =	vor.u32 v38, v40  }
0x180: {  	v54 =	vld [tilespmem:$0x5110];
	v38 =	vadd.s32 v26, v38;
	_ =	sdelay $0x1  }
0x181: {  	vm1 =	veq.s32 v37, v52  }
0x182: {  	v37 =	vsel vm1, v36, v37  }
0x183: {  	v55 =	vld [tilespmem:$0x5280];
	[tilespmem:$0x5470] =	vst v37  }
0x184: {  	v56 =	vshll.u32 v54, $0x3;
	v37 =	vld.idx.msk [tilespmem:v38+s2+$0x0], $0xffff  }
0x185: {  	v39 =	vand.u32 $0xFFFFFC00, v56;
	v40 =	vand.u32 $0x7F, v54  }
0x186: {  	v39 =	vor.u32 v40, v39  }
0x187: {  	v57 =	vld [tilespmem:$0x5120];
	v39 =	vadd.s32 v27, v39;
	_ =	sdelay $0x1  }
0x188: {  	vm1 =	veq.s32 v37, v55  }
0x189: {  	v37 =	vsel vm1, v36, v37  }
0x18a: {  	v58 =	vld [tilespmem:$0x5290];
	[tilespmem:$0x5480] =	vst v37  }
0x18b: {  	v59 =	vshll.u32 v57, $0x3;
	v37 =	vld.idx.msk [tilespmem:v39+s2+$0x0], $0xffff  }
0x18c: {  	v40 =	vand.u32 $0x7F, v57;
	v39 =	vand.u32 $0xFFFFFC00, v59  }
0x18d: {  	v39 =	vor.u32 v40, v39  }
0x18e: {  	v60 =	vld [tilespmem:$0x5130];
	v39 =	vadd.s32 v28, v39;
	_ =	sdelay $0x1  }
0x18f: {  	vm1 =	veq.s32 v37, v58  }
0x190: {  	v37 =	vsel vm1, v36, v37  }
0x191: {  	v61 =	vld [tilespmem:$0x52A0];
	[tilespmem:$0x5490] =	vst v37  }
0x192: {  	v62 =	vshll.u32 v60, $0x3;
	v37 =	vld.idx.msk [tilespmem:v39+s2+$0x0], $0xffff  }
0x193: {  	v40 =	vand.u32 $0x7F, v60;
	v39 =	vand.u32 $0xFFFFFC00, v62  }
0x194: {  	v39 =	vor.u32 v40, v39  }
0x195: {  	v39 =	vadd.s32 v29, v39;
	_ =	sdelay $0x1  }
0x196: {  	vm1 =	veq.s32 v37, v61  }
0x197: {  	v37 =	vsel vm1, v36, v37  }
0x198: {  	v63 =	vld [tilespmem:$0x52B0];
	[tilespmem:$0x54A0] =	vst v37  }
0x199: {  	v37 =	vld.idx.msk [tilespmem:v39+s2+$0x0], $0xffff;
	_ =	sdelay $0x4  }
0x19a: {  	vm1 =	veq.s32 v37, v63  }
0x19b: {  	p0 =	sne.s32 s8, $0x1;
	v36 =	vsel vm1, v36, v37  }
.Ltmp0:
0x19c: {  	[tilespmem:$0x54B0] =	vst v36;
	(pc) =	sbr.rel @p0 .LBB2_1-.Ltmp0, $4  }
0x19d: {  	[hbm4b:s7+s2] =	stream.linear.scatter [tilespmem:s23], [sflag:$0x2], $0x140, $0x38;
	[tilespmem:$0x5580] =	vst v63  }
0x19e: {  	_ =	swait.ge [sflag:s10], $0x140  }
0x19f: {  	[sflag:s10] =	ssyncset.done $0x0  }
0x1a0: {  	s8 =	sadd.s32 $0xFFFFFFFF, s8;
	[sflag:s10] =	ssyncadd.s32 $0xFFFFFEC0  }
0x1a1: {  	_ =	sfence.sel $0x180000  }
0x1a2: {  	[bflag:$0x0] =	sbarrier.arrive $0xFFFF  }
0x1a3: {  	p0 =	sne.s32 s0, $0x0;
	_ =	strace $0x90000047  }
0x1a4: {  	s0 =	sadd.s32 @!p0 $0x100000, s1;
	[bflag:$0x2] =	sbarrier.arrive $0xFFFF  }
0x1a5: {  	[sflag:s0] =	ssyncadd.tile.s32 @!p0 $0x1;
	_ =	shalt  }
.Lfunc_end2:
_tile_overlayer_lowered:
.L_overlay_start_2:
0x1a6: {  	(tag) =	ssettag $0x2  }
0x1a7: {  	s0 =	rddreg [dreg:$0x0];
	s2 =	stileid.u32  }
0x1a8: {  	s1 =	rddreg [dreg:$0x1];
	p0 =	sne.s32 s2, $0x0  }
0x1a9: {  	s3 =	rddreg [dreg:$0x2];
	[bflag:$0x3] =	sbarrier.arrive $0xFFFF;
	s2 =	simm.s32 @!p0 $0x1C02  }
0x1aa: {  	[timem:s3], [sflag:s2] =	dma.local @!p0 [hbm:s0], s1  }
0x1ab: {  	s0 =	simm.s32 @!p0 $0x2  }
0x1ac: {  	_ =	swait.ge @!p0 [sflag:s0], s1  }
0x1ad: {  	s1 =	ssub.s32 @!p0 $0x0, s1;
	[sflag:s0] =	ssyncset.done @!p0 $0x0  }
0x1ae: {  	[sflag:s0] =	ssyncadd.s32 @!p0 s1  }
0x1af: {  	[bflag:$0x3] =	sbarrier.arrive $0xFFFF  }
0x1b0: {  	_ =	shalt  }

</sc_bundles>
